<compile_context>
chip_gen: v7x
topology: tpu7x:2x2x1
jax: 0.10.2.dev20260603
libtpu: 0.0.44.dev20260713+nightly
codegen_flags: <defaults>
</compile_context>

<pallas_src>
import functools

import jax
import jax.numpy as jnp
from jax import lax
from jax.experimental import pallas as pl
from jax.experimental.pallas import tpu as pltpu
from jax.experimental.pallas import tpu_sc as plsc

_K = 10
_UNK = 2
_BIG = 10 ** 9
_NEG = -(2 ** 31)


def _sort_key(x):
    b = lax.bitcast_convert_type(x, jnp.int32)
    return b ^ ((b >> 31) & jnp.int32(0x7FFFFFFF))


def _gather_types(t1f, t2f, yt1, yt2, vt_dim):
    n = yt1.shape[0]
    nw = 32
    per = n // nw
    mesh = plsc.VectorSubcoreMesh(core_axis_name="c", subcore_axis_name="s")

    @functools.partial(
        pl.kernel,
        mesh=mesh,
        out_type=[jax.ShapeDtypeStruct((n,), jnp.float32)] * 3,
        scratch_types=[
            pltpu.VMEM((per,), jnp.int32),
            pltpu.VMEM((per,), jnp.float32),
            pltpu.SemaphoreType.DMA,
        ],
    )
    def k(t1_h, t2_h, yt1_h, yt2_h, o_at1, o_at2y1, o_at2y2, y_s, val_s, sem):
        wid = lax.axis_index("s") * 2 + lax.axis_index("c")
        base = pl.multiple_of(wid * per, per)
        rows = base + lax.iota(jnp.int32, per)

        def one(y_h, table_h, out_h):
            pltpu.sync_copy(y_h.at[pl.ds(base, per)], y_s)
            idx = rows * vt_dim + y_s[...]
            pltpu.async_copy(table_h.at[idx], val_s, sem).wait()
            pltpu.sync_copy(val_s, out_h.at[pl.ds(base, per)])

        one(yt1_h, t1_h, o_at1)
        one(yt1_h, t2_h, o_at2y1)
        one(yt2_h, t2_h, o_at2y2)

    return k(t1f, t2f, yt1, yt2)


def _gv_body(y1_ref, y2_ref, v1_any, v2_any, a_ref, b_ref, sem):
    n, w = a_ref.shape

    def cp1(r):
        t = lax.shift_right_logical(y1_ref[r], 7)
        return pltpu.make_async_copy(
            v1_any.at[pl.ds(r, 1), pl.ds(t * 128, w)],
            a_ref.at[pl.ds(r, 1), :], sem)

    def cp2(r):
        t = lax.shift_right_logical(y2_ref[r], 7)
        return pltpu.make_async_copy(
            v2_any.at[pl.ds(r, 1), pl.ds(t * 128, w)],
            b_ref.at[pl.ds(r, 1), :], sem)

    def issue(r, c):
        cp1(r).start()
        cp2(r).start()
        return c

    def drain(r, c):
        cp1(r).wait()
        cp2(r).wait()
        return c

    lax.fori_loop(0, n, issue, 0)
    lax.fori_loop(0, n, drain, 0)


def _gather_values(v1, v2, yv1, yv2):
    n = v1.shape[0]
    w = min(128, v1.shape[1])
    out_shape = [jax.ShapeDtypeStruct((n, w), jnp.float32)] * 2
    return pl.pallas_call(
        _gv_body,
        in_specs=[pl.BlockSpec(memory_space=pltpu.SMEM)] * 2
        + [pl.BlockSpec(memory_space=pl.ANY)] * 2,
        out_shape=out_shape,
        scratch_shapes=[pltpu.SemaphoreType.DMA],
    )(yv1, yv2, v1, v2)


def _fused_body(v1_ref, v2_ref, t1_ref, t2_ref, at_ref, bt_ref,
                at1_ref, at2y1_ref, at2y2_ref, y1_ref, y2_ref,
                yt1_ref, yt2_ref, ext_ref, *outs_scratch,
                cb, vv_dim, vt_dim, seq_len, nc):
    outs = outs_scratch[:12]
    sA, sB, sC, sD, sAV, sBV = outs_scratch[12:]
    i = pl.program_id(0)

    def cnt(m):
        return jnp.sum(m, axis=1, keepdims=True, dtype=jnp.int32)

    @pl.when(i == 0)
    def _init():
        for sc in (sA, sB, sC, sD):
            sc[...] = jnp.zeros_like(sc)
        n = at_ref.shape[0]
        lane = lax.broadcasted_iota(jnp.int32, at_ref.shape, 1)
        lm1 = lane == (y1_ref[...] % 128)
        lm2 = lane == (y2_ref[...] % 128)
        avf = jnp.sum(jnp.where(lm1, at_ref[...], 0.0), axis=1, keepdims=True)
        bvf = jnp.sum(jnp.where(lm2, bt_ref[...], 0.0), axis=1, keepdims=True)
        sAV[...] = _sort_key(avf)
        sBV[...] = _sort_key(bvf)

    def accum(tail):
        avk = sAV[...]
        bvk = sBV[...]
        shape = v1_ref.shape
        iota = lax.broadcasted_iota(jnp.int32, shape, 1)
        d1 = jnp.where(iota < y1_ref[...] - i * cb, 1, 0)
        d2 = jnp.where(iota < y2_ref[...] - i * cb, 1, 0)
        v1k = _sort_key(v1_ref[...])
        v2k = _sort_key(v2_ref[...])
        if tail:
            inb = iota < (vv_dim - (nc - 1) * cb)
            v1k = jnp.where(inb, v1k, _NEG)
            v2k = jnp.where(inb, v2k, _NEG)
        sA[...] += cnt(v1k + d1 > avk)
        sB[...] += cnt(v1k > bvk - 1)
        sC[...] += cnt(v2k + d2 > bvk)
        sD[...] += cnt(v2k > avk)

    if vv_dim % cb != 0:
        @pl.when(i < nc - 1)
        def _mid():
            accum(False)

        @pl.when(i == nc - 1)
        def _last():
            accum(True)
    else:
        accum(False)

    @pl.when(i == nc - 1)
    def _finalize():
        n = t1_ref.shape[0]
        t1f = t1_ref[...]
        t2f = t2_ref[...]
        t1 = _sort_key(t1f)
        t2 = _sort_key(t2f)
        tcol = lax.broadcasted_iota(jnp.int32, t1.shape, 1)
        tinb = tcol < vt_dim
        yt1 = yt1_ref[...]
        yt2 = yt2_ref[...]
        yv1 = y1_ref[...]
        yv2 = y2_ref[...]

        ens = _sort_key((t1f + t2f) * 0.5)
        ae = _sort_key((at1_ref[...] + at2y1_ref[...]) * 0.5)
        at1 = _sort_key(at1_ref[...])
        at2 = _sort_key(at2y2_ref[...])

        tl1 = tcol < yt1
        rank_te = cnt(tinb & ((ens > ae) | ((ens == ae) & tl1)))
        rank_t1 = cnt(tinb & ((t1 > at1) | ((t1 == at1) & tl1)))
        rank_t2 = cnt(tinb & ((t2 > at2) | ((t2 == at2) & (tcol < yt2))))

        rank_v1 = sA[...]
        rank_v2 = sC[...]
        rank_e1 = sA[...] + sD[...]
        rank_e2 = sB[...] + sC[...]

        l_pos = lax.broadcasted_iota(jnp.int32, (n, 1), 0) % seq_len
        pos_ok = l_pos >= ext_ref[...]

        def vmask(y):
            return pos_ok & (y != 0) & (y != 1)

        vm_t1 = vmask(yt1)
        vm_t2 = vmask(yt2)
        vm_v1 = vmask(yv1)
        vm_v2 = vmask(yv2)

        def mrr_true(rank, y, vm):
            fired = vm & (y != _UNK) & (rank < _K)
            rec = 1.0 / (rank.astype(jnp.float32) + 1.0)
            mrr = jnp.sum(jnp.where(fired, rec, 0.0))
            ln = jnp.where(jnp.any(fired), jnp.sum(vm.astype(jnp.int32)), 0)
            return mrr, ln

        m_te, l_te = mrr_true(rank_te, yt1, vm_t1)
        m_t1, l_t1 = mrr_true(rank_t1, yt1, vm_t1)
        m_t2, l_t2 = mrr_true(rank_t2, yt2, vm_t2)
        m_v1, l_v1 = mrr_true(rank_v1, yv1, vm_v1)
        m_v2, l_v2 = mrr_true(rank_v2, yv2, vm_v2)

        f1 = vm_v1 & (yv1 != _UNK) & (rank_e1 < _K)
        f2 = vm_v1 & (rank_e2 < _K)
        r1 = jnp.where(f1, rank_e1, _BIG)
        r2 = jnp.where(f2, rank_e2, _BIG)
        rmin = jnp.minimum(r1, r2)
        matched = rmin < _BIG
        m_ens = jnp.sum(
            jnp.where(matched, 1.0 / (rmin.astype(jnp.float32) + 1.0), 0.0))
        l_ens = jnp.where(jnp.any(matched), jnp.sum(vm_v1.astype(jnp.int32)), 0)

        vals = (m_te, l_te, m_ens, l_ens, m_t1, l_t1, m_t2, l_t2,
                m_v1, l_v1, m_v2, l_v2)
        for o, v in zip(outs, vals):
            o[0, 0] = v


def _count_and_finalize(v1, v2, t1, t2, at_tiles, bt_tiles, at1, at2y1,
                        at2y2, yv1, yv2, yt1, yt2, ext_rows, seq_len,
                        cb=2944):
    n, vv_dim = v1.shape
    vt_dim = t1.shape[1]
    nc = (vv_dim + cb - 1) // cb
    chunk = pl.BlockSpec((n, cb), lambda i: (0, i))
    tfull = pl.BlockSpec((n, vt_dim), lambda i: (0, 0))
    tile = pl.BlockSpec(at_tiles.shape, lambda i: (0, 0))
    full = pl.BlockSpec((n, 1), lambda i: (0, 0))
    smem = pl.BlockSpec(memory_space=pltpu.SMEM)
    out_shape = []
    for _ in range(6):
        out_shape.append(jax.ShapeDtypeStruct((1, 1), jnp.float32))
        out_shape.append(jax.ShapeDtypeStruct((1, 1), jnp.int32))
    return pl.pallas_call(
        functools.partial(_fused_body, cb=cb, vv_dim=vv_dim, vt_dim=vt_dim,
                          seq_len=seq_len, nc=nc),
        grid=(nc,),
        in_specs=[chunk, chunk, tfull, tfull, tile, tile] + [full] * 8,
        out_specs=[smem] * 12,
        out_shape=out_shape,
        scratch_shapes=[pltpu.VMEM((n, 1), jnp.int32)] * 6,
    )(v1, v2, t1, t2, at_tiles, bt_tiles, at1, at2y1, at2y2,
      yv1, yv2, yt1, yt2, ext_rows)


def kernel(types1, types2, values1, values2, y_types1, y_types2,
           y_values1, y_values2, ext):
    b, l, vt_dim = types1.shape
    vv_dim = values1.shape[-1]
    n = b * l
    t1 = types1.reshape(n, vt_dim)
    t2 = types2.reshape(n, vt_dim)
    v1 = values1.reshape(n, vv_dim)
    v2 = values2.reshape(n, vv_dim)
    yt1 = y_types1.reshape(n).astype(jnp.int32)
    yt2 = y_types2.reshape(n).astype(jnp.int32)
    yv1 = y_values1.reshape(n).astype(jnp.int32)
    yv2 = y_values2.reshape(n).astype(jnp.int32)

    at1, at2y1, at2y2 = _gather_types(
        t1.reshape(-1), t2.reshape(-1), yt1, yt2, vt_dim)
    at_tiles, bt_tiles = _gather_values(v1, v2, yv1, yv2)

    col = lambda x: x.reshape(n, 1)
    ext_rows = jnp.broadcast_to(ext[:, None], (b, l)).reshape(n, 1)
    ext_rows = ext_rows.astype(jnp.int32)
    outs = _count_and_finalize(
        v1, v2, t1, t2, at_tiles, bt_tiles, col(at1), col(at2y1),
        col(at2y2), col(yv1), col(yv2), col(yt1), col(yt2), ext_rows, l)
    res = []
    for o in outs:
        res.append(o[0, 0])
    return tuple(res)

# --- scband reference (transcript-rebuilt; emitter-appended) ---
"""Pipeline reference for scband-ensembled-model-62277025792271 (READ-ONLY COPY).

The authoritative reference and input builder live on the scoring server;
editing this copy changes nothing except your own understanding.
"""

import jax, jax.numpy as jnp
import numpy as np

PAD_IDX = 0
EMPTY_IDX = 1
UNK_IDX = 2
K = 10


def _valid_mask(y, ext):
    # y: [B, L] int, ext: [B] int
    B, L = y.shape
    ext_ids = jnp.arange(L)[None, :]
    where = ext_ids >= ext[:, None]
    where = where & (y != PAD_IDX) & (y != EMPTY_IDX)
    return where.reshape(-1)


def _mrr_true(pred, y, valid, oov):
    # pred: [N, V] float, y: [N] int, valid: [N] bool
    _, idx = jax.lax.top_k(pred, K)
    # topk indices within a row are distinct and y is a single value per row,
    # so each row matches at most one column -> summing eq * 1/(col+1)
    # reproduces sum(1/(r+1)) over nonzero ranks exactly.
    eq = (idx == y[:, None]) & (y[:, None] != oov) & valid[:, None]
    recip = 1.0 / (jnp.arange(K, dtype=jnp.float32) + 1.0)
    mrr_val = (eq.astype(jnp.float32) * recip[None, :]).sum()
    ln = jnp.where(eq.any(), valid.sum(), 0)
    return mrr_val, ln


def _mrr_ens(pred1, pred2, y1, y2, valid, oov1, oov2):
    # stacked-vocab ensemble: concat logits, topk over combined vocab,
    # rank = min(rank wrt target1, rank wrt shifted target2)  [= extract_max]
    thres = pred1.shape[-1]
    cat = jnp.concatenate([pred1, pred2], axis=-1)
    _, idx = jax.lax.top_k(cat, K)
    y2s = y2 + thres
    eq1 = (idx == y1[:, None]) & (y1[:, None] != oov1) & valid[:, None]
    # NB: original compares the SHIFTED y_true2 against oov2 (never fires);
    # replicated faithfully here.
    eq2 = (idx == y2s[:, None]) & (y2s[:, None] != oov2) & valid[:, None]
    cols = jnp.arange(K)
    BIG = jnp.array(10 ** 9)
    r1 = jnp.min(jnp.where(eq1, cols[None, :], BIG), axis=1)
    r2 = jnp.min(jnp.where(eq2, cols[None, :], BIG), axis=1)
    rmin = jnp.minimum(r1, r2)
    matched = rmin < BIG
    mrr_val = jnp.where(matched, 1.0 / (rmin.astype(jnp.float32) + 1.0), 0.0).sum()
    ln = jnp.where(matched.any(), valid.sum(), 0)
    return mrr_val, ln


def setup_inputs(seed: int = 0):
    key = jax.random.key(seed)
    ks = jax.random.split(key, 9)
    B, L, VT, VV = 32, 16, 1000, 100000
    return {
        "types1": jax.random.normal(ks[0], (B, L, VT), dtype=jnp.float32),
        "types2": jax.random.normal(ks[1], (B, L, VT), dtype=jnp.float32),
        "values1": jax.random.normal(ks[2], (B, L, VV), dtype=jnp.float32),
        "values2": jax.random.normal(ks[3], (B, L, VV), dtype=jnp.float32),
        "y_types1": jax.random.randint(ks[4], (B, L), 0, VT),
        "y_types2": jax.random.randint(ks[5], (B, L), 0, VT),
        "y_values1": jax.random.randint(ks[6], (B, L), 0, VV),
        "y_values2": jax.random.randint(ks[7], (B, L), 0, VV),
        "ext": jax.random.randint(ks[8], (B,), 0, L),
    }


def reference(types1, types2, values1, values2, y_types1, y_types2, y_values1, y_values2, ext):
    VT = types1.shape[-1]
    VV = values1.shape[-1]
    t1 = types1.reshape(-1, VT)
    t2 = types2.reshape(-1, VT)
    v1 = values1.reshape(-1, VV)
    v2 = values2.reshape(-1, VV)
    yt1 = y_types1.reshape(-1)
    yt2 = y_types2.reshape(-1)
    yv1 = y_values1.reshape(-1)
    yv2 = y_values2.reshape(-1)
    vmask_t1 = _valid_mask(y_types1, ext)
    vmask_t2 = _valid_mask(y_types2, ext)
    vmask_v1 = _valid_mask(y_values1, ext)
    vmask_v2 = _valid_mask(y_values2, ext)
    types_ens = (t1 + t2) / 2.0
    mrr_types, ln_types = _mrr_true(types_ens, yt1, vmask_t1, UNK_IDX)
    mrr_vals, ln_vals = _mrr_ens(v1, v2, yv1, yv2, vmask_v1, UNK_IDX, UNK_IDX)
    mrr_t1, ln_t1 = _mrr_true(t1, yt1, vmask_t1, UNK_IDX)
    mrr_t2, ln_t2 = _mrr_true(t2, yt2, vmask_t2, UNK_IDX)
    mrr_v1, ln_v1 = _mrr_true(v1, yv1, vmask_v1, UNK_IDX)
    mrr_v2, ln_v2 = _mrr_true(v2, yv2, vmask_v2, UNK_IDX)
    return (mrr_types, ln_types, mrr_vals, ln_vals, mrr_t1, ln_t1, mrr_t2, ln_t2, mrr_v1, ln_v1, mrr_v2, ln_v2)

if __name__ == "__main__":
    import jax
    _d = setup_inputs()
    print(jax.jit(kernel)(*tuple(_d.values())))

</pallas_src>

<mosaic_0001>
#map = affine_map<(d0, d1) -> (0)>
module attributes {stable_mosaic.version = 14 : i64} {
  func.func @k(%arg0: i32, %arg1: i32, %arg2: memref<512000xf32, #tpu.memory_space<hbm>>, %arg3: memref<512000xf32, #tpu.memory_space<hbm>>, %arg4: memref<512xi32, #tpu.memory_space<hbm>>, %arg5: memref<512xi32, #tpu.memory_space<hbm>>, %arg6: memref<512xf32, #tpu.memory_space<hbm>>, %arg7: memref<512xf32, #tpu.memory_space<hbm>>, %arg8: memref<512xf32, #tpu.memory_space<hbm>>, %arg9: memref<16xi32, #tpu.memory_space<vmem>>, %arg10: memref<16xf32, #tpu.memory_space<vmem>>, %arg11: memref<!tpu.dma_semaphore, #tpu.memory_space<semaphore_mem>>) attributes {dimension_semantics = [#tpu.dimension_semantics<core_parallel>, #tpu.dimension_semantics<subcore_parallel>], iteration_bounds = array<i64: 2, 16>, scalar_prefetch = 0 : i64, scratch_operands = 3 : i64, tpu.core_type = #tpu.core_type<sc_vector_subcore>, window_params = [{transform_indices = #map}, {transform_indices = #map}, {transform_indices = #map}, {transform_indices = #map}, {transform_indices = #map}, {transform_indices = #map}, {transform_indices = #map}]} {
    %mul3A = arith.constant 2 : i32
    %mul3A_0 = arith.muli %arg1, %mul3A : i32
    %add3A = arith.addi %mul3A_0, %arg0 : i32
    %mul3A_1 = arith.constant 16 : i32
    %mul3A_2 = arith.muli %add3A, %mul3A_1 : i32
    %multiple_of3A = tpu.assume_multiple %mul3A_2, 16 : i32
    %iota3A = tpu.iota {dimensions = array<i32: 0>} : vector<16xi32>
    %add3A_3 = vector.broadcast %multiple_of3A : i32 to vector<16xi32>
    %add3A_4 = arith.addi %add3A_3, %iota3A : vector<16xi32>
    "tpu.region"() ({
      %run_scoped3A = tpu.sem_alloc : memref<!tpu.dma_semaphore, #tpu.memory_space<semaphore_mem>>
      %dma_start3A_35 = tpu.memref_slice %arg4[%multiple_of3A] : memref<512xi32, #tpu.memory_space<hbm>> -> memref<16xi32, #tpu.memory_space<hbm>>
      %dma_start3A_36 = tpu.memref_slice %arg4[%multiple_of3A] : memref<512xi32, #tpu.memory_space<hbm>> -> memref<16xi32, #tpu.memory_space<hbm>>
      tpu.enqueue_dma source(%dma_start3A_36 : memref<16xi32, #tpu.memory_space<hbm>>) target(%arg9 : memref<16xi32, #tpu.memory_space<vmem>>) target_semaphore(%run_scoped3A : memref<!tpu.dma_semaphore, #tpu.memory_space<semaphore_mem>>)
      %dma_wait3A_37 = tpu.memref_slice %arg4[%multiple_of3A] : memref<512xi32, #tpu.memory_space<hbm>> -> memref<16xi32, #tpu.memory_space<hbm>>
      %dma_wait3A_38 = tpu.memref_slice %arg4[%multiple_of3A] : memref<512xi32, #tpu.memory_space<hbm>> -> memref<16xi32, #tpu.memory_space<hbm>>
      tpu.wait_dma2 semaphore(%run_scoped3A : memref<!tpu.dma_semaphore, #tpu.memory_space<semaphore_mem>>) src(%dma_wait3A_38 : memref<16xi32, #tpu.memory_space<hbm>>) dst(%arg9 : memref<16xi32, #tpu.memory_space<vmem>>)
      tpu.yield
    }) : () -> ()
    %mul3A_5 = arith.constant 1000 : i32
    %mul3A_6 = vector.broadcast %mul3A_5 : i32 to vector<16xi32>
    %mul3A_7 = arith.muli %add3A_4, %mul3A_6 : vector<16xi32>
    %get3A = arith.constant 0 : index
    %get3A_8 = tpu.vector_load %arg9[%get3A] {strides = array<i32>} : memref<16xi32, #tpu.memory_space<vmem>>, vector<16xi32>,
    %get3A_9 = vector.shape_cast %get3A_8 : vector<16xi32> to vector<16xi32>
    %add3A_10 = arith.addi %mul3A_7, %get3A_9 : vector<16xi32>
    %dma_start3A = arith.constant 0 : i32
    %dma_start3A_11 = tpu.memref_slice %arg2[%dma_start3A] : memref<512000xf32, #tpu.memory_space<hbm>> -> memref<512000xf32, #tpu.memory_space<hbm>>
    tpu.enqueue_indirect_dma source(%dma_start3A_11 : memref<512000xf32, #tpu.memory_space<hbm>>) target(%arg10 : memref<16xf32, #tpu.memory_space<vmem>>) offsets(%add3A_10 : vector<16xi32>) semaphore(%arg11 : memref<!tpu.dma_semaphore, #tpu.memory_space<semaphore_mem>>)
    %dma_wait3A = arith.constant 0 : i32
    %dma_wait3A_12 = tpu.memref_slice %arg2[%dma_wait3A] : memref<512000xf32, #tpu.memory_space<hbm>> -> memref<512000xf32, #tpu.memory_space<hbm>>
    tpu.wait_indirect_dma semaphore(%arg11 : memref<!tpu.dma_semaphore, #tpu.memory_space<semaphore_mem>>) src(%dma_wait3A_12 : memref<512000xf32, #tpu.memory_space<hbm>>) dst(%arg10 : memref<16xf32, #tpu.memory_space<vmem>>)
    "tpu.region"() ({
      %run_scoped3A = tpu.sem_alloc : memref<!tpu.dma_semaphore, #tpu.memory_space<semaphore_mem>>
      %dma_start3A_35 = tpu.memref_slice %arg6[%multiple_of3A] : memref<512xf32, #tpu.memory_space<hbm>> -> memref<16xf32, #tpu.memory_space<hbm>>
      %dma_start3A_36 = tpu.memref_slice %arg6[%multiple_of3A] : memref<512xf32, #tpu.memory_space<hbm>> -> memref<16xf32, #tpu.memory_space<hbm>>
      tpu.enqueue_dma source(%arg10 : memref<16xf32, #tpu.memory_space<vmem>>) target(%dma_start3A_36 : memref<16xf32, #tpu.memory_space<hbm>>) target_semaphore(%run_scoped3A : memref<!tpu.dma_semaphore, #tpu.memory_space<semaphore_mem>>)
      %dma_wait3A_37 = tpu.memref_slice %arg6[%multiple_of3A] : memref<512xf32, #tpu.memory_space<hbm>> -> memref<16xf32, #tpu.memory_space<hbm>>
      %dma_wait3A_38 = tpu.memref_slice %arg6[%multiple_of3A] : memref<512xf32, #tpu.memory_space<hbm>> -> memref<16xf32, #tpu.memory_space<hbm>>
      tpu.wait_dma2 semaphore(%run_scoped3A : memref<!tpu.dma_semaphore, #tpu.memory_space<semaphore_mem>>) src(%arg10 : memref<16xf32, #tpu.memory_space<vmem>>) dst(%dma_wait3A_38 : memref<16xf32, #tpu.memory_space<hbm>>)
      tpu.yield
    }) : () -> ()
    "tpu.region"() ({
      %run_scoped3A = tpu.sem_alloc : memref<!tpu.dma_semaphore, #tpu.memory_space<semaphore_mem>>
      %dma_start3A_35 = tpu.memref_slice %arg4[%multiple_of3A] : memref<512xi32, #tpu.memory_space<hbm>> -> memref<16xi32, #tpu.memory_space<hbm>>
      %dma_start3A_36 = tpu.memref_slice %arg4[%multiple_of3A] : memref<512xi32, #tpu.memory_space<hbm>> -> memref<16xi32, #tpu.memory_space<hbm>>
      tpu.enqueue_dma source(%dma_start3A_36 : memref<16xi32, #tpu.memory_space<hbm>>) target(%arg9 : memref<16xi32, #tpu.memory_space<vmem>>) target_semaphore(%run_scoped3A : memref<!tpu.dma_semaphore, #tpu.memory_space<semaphore_mem>>)
      %dma_wait3A_37 = tpu.memref_slice %arg4[%multiple_of3A] : memref<512xi32, #tpu.memory_space<hbm>> -> memref<16xi32, #tpu.memory_space<hbm>>
      %dma_wait3A_38 = tpu.memref_slice %arg4[%multiple_of3A] : memref<512xi32, #tpu.memory_space<hbm>> -> memref<16xi32, #tpu.memory_space<hbm>>
      tpu.wait_dma2 semaphore(%run_scoped3A : memref<!tpu.dma_semaphore, #tpu.memory_space<semaphore_mem>>) src(%dma_wait3A_38 : memref<16xi32, #tpu.memory_space<hbm>>) dst(%arg9 : memref<16xi32, #tpu.memory_space<vmem>>)
      tpu.yield
    }) : () -> ()
    %mul3A_13 = arith.constant 1000 : i32
    %mul3A_14 = vector.broadcast %mul3A_13 : i32 to vector<16xi32>
    %mul3A_15 = arith.muli %add3A_4, %mul3A_14 : vector<16xi32>
    %get3A_16 = arith.constant 0 : index
    %get3A_17 = tpu.vector_load %arg9[%get3A_16] {strides = array<i32>} : memref<16xi32, #tpu.memory_space<vmem>>, vector<16xi32>,
    %get3A_18 = vector.shape_cast %get3A_17 : vector<16xi32> to vector<16xi32>
    %add3A_19 = arith.addi %mul3A_15, %get3A_18 : vector<16xi32>
    %dma_start3A_20 = arith.constant 0 : i32
    %dma_start3A_21 = tpu.memref_slice %arg3[%dma_start3A_20] : memref<512000xf32, #tpu.memory_space<hbm>> -> memref<512000xf32, #tpu.memory_space<hbm>>
    tpu.enqueue_indirect_dma source(%dma_start3A_21 : memref<512000xf32, #tpu.memory_space<hbm>>) target(%arg10 : memref<16xf32, #tpu.memory_space<vmem>>) offsets(%add3A_19 : vector<16xi32>) semaphore(%arg11 : memref<!tpu.dma_semaphore, #tpu.memory_space<semaphore_mem>>)
    %dma_wait3A_22 = arith.constant 0 : i32
    %dma_wait3A_23 = tpu.memref_slice %arg3[%dma_wait3A_22] : memref<512000xf32, #tpu.memory_space<hbm>> -> memref<512000xf32, #tpu.memory_space<hbm>>
    tpu.wait_indirect_dma semaphore(%arg11 : memref<!tpu.dma_semaphore, #tpu.memory_space<semaphore_mem>>) src(%dma_wait3A_23 : memref<512000xf32, #tpu.memory_space<hbm>>) dst(%arg10 : memref<16xf32, #tpu.memory_space<vmem>>)
    "tpu.region"() ({
      %run_scoped3A = tpu.sem_alloc : memref<!tpu.dma_semaphore, #tpu.memory_space<semaphore_mem>>
      %dma_start3A_35 = tpu.memref_slice %arg7[%multiple_of3A] : memref<512xf32, #tpu.memory_space<hbm>> -> memref<16xf32, #tpu.memory_space<hbm>>
      %dma_start3A_36 = tpu.memref_slice %arg7[%multiple_of3A] : memref<512xf32, #tpu.memory_space<hbm>> -> memref<16xf32, #tpu.memory_space<hbm>>
      tpu.enqueue_dma source(%arg10 : memref<16xf32, #tpu.memory_space<vmem>>) target(%dma_start3A_36 : memref<16xf32, #tpu.memory_space<hbm>>) target_semaphore(%run_scoped3A : memref<!tpu.dma_semaphore, #tpu.memory_space<semaphore_mem>>)
      %dma_wait3A_37 = tpu.memref_slice %arg7[%multiple_of3A] : memref<512xf32, #tpu.memory_space<hbm>> -> memref<16xf32, #tpu.memory_space<hbm>>
      %dma_wait3A_38 = tpu.memref_slice %arg7[%multiple_of3A] : memref<512xf32, #tpu.memory_space<hbm>> -> memref<16xf32, #tpu.memory_space<hbm>>
      tpu.wait_dma2 semaphore(%run_scoped3A : memref<!tpu.dma_semaphore, #tpu.memory_space<semaphore_mem>>) src(%arg10 : memref<16xf32, #tpu.memory_space<vmem>>) dst(%dma_wait3A_38 : memref<16xf32, #tpu.memory_space<hbm>>)
      tpu.yield
    }) : () -> ()
    "tpu.region"() ({
      %run_scoped3A = tpu.sem_alloc : memref<!tpu.dma_semaphore, #tpu.memory_space<semaphore_mem>>
      %dma_start3A_35 = tpu.memref_slice %arg5[%multiple_of3A] : memref<512xi32, #tpu.memory_space<hbm>> -> memref<16xi32, #tpu.memory_space<hbm>>
      %dma_start3A_36 = tpu.memref_slice %arg5[%multiple_of3A] : memref<512xi32, #tpu.memory_space<hbm>> -> memref<16xi32, #tpu.memory_space<hbm>>
      tpu.enqueue_dma source(%dma_start3A_36 : memref<16xi32, #tpu.memory_space<hbm>>) target(%arg9 : memref<16xi32, #tpu.memory_space<vmem>>) target_semaphore(%run_scoped3A : memref<!tpu.dma_semaphore, #tpu.memory_space<semaphore_mem>>)
      %dma_wait3A_37 = tpu.memref_slice %arg5[%multiple_of3A] : memref<512xi32, #tpu.memory_space<hbm>> -> memref<16xi32, #tpu.memory_space<hbm>>
      %dma_wait3A_38 = tpu.memref_slice %arg5[%multiple_of3A] : memref<512xi32, #tpu.memory_space<hbm>> -> memref<16xi32, #tpu.memory_space<hbm>>
      tpu.wait_dma2 semaphore(%run_scoped3A : memref<!tpu.dma_semaphore, #tpu.memory_space<semaphore_mem>>) src(%dma_wait3A_38 : memref<16xi32, #tpu.memory_space<hbm>>) dst(%arg9 : memref<16xi32, #tpu.memory_space<vmem>>)
      tpu.yield
    }) : () -> ()
    %mul3A_24 = arith.constant 1000 : i32
    %mul3A_25 = vector.broadcast %mul3A_24 : i32 to vector<16xi32>
    %mul3A_26 = arith.muli %add3A_4, %mul3A_25 : vector<16xi32>
    %get3A_27 = arith.constant 0 : index
    %get3A_28 = tpu.vector_load %arg9[%get3A_27] {strides = array<i32>} : memref<16xi32, #tpu.memory_space<vmem>>, vector<16xi32>,
    %get3A_29 = vector.shape_cast %get3A_28 : vector<16xi32> to vector<16xi32>
    %add3A_30 = arith.addi %mul3A_26, %get3A_29 : vector<16xi32>
    %dma_start3A_31 = arith.constant 0 : i32
    %dma_start3A_32 = tpu.memref_slice %arg3[%dma_start3A_31] : memref<512000xf32, #tpu.memory_space<hbm>> -> memref<512000xf32, #tpu.memory_space<hbm>>
    tpu.enqueue_indirect_dma source(%dma_start3A_32 : memref<512000xf32, #tpu.memory_space<hbm>>) target(%arg10 : memref<16xf32, #tpu.memory_space<vmem>>) offsets(%add3A_30 : vector<16xi32>) semaphore(%arg11 : memref<!tpu.dma_semaphore, #tpu.memory_space<semaphore_mem>>)
    %dma_wait3A_33 = arith.constant 0 : i32
    %dma_wait3A_34 = tpu.memref_slice %arg3[%dma_wait3A_33] : memref<512000xf32, #tpu.memory_space<hbm>> -> memref<512000xf32, #tpu.memory_space<hbm>>
    tpu.wait_indirect_dma semaphore(%arg11 : memref<!tpu.dma_semaphore, #tpu.memory_space<semaphore_mem>>) src(%dma_wait3A_34 : memref<512000xf32, #tpu.memory_space<hbm>>) dst(%arg10 : memref<16xf32, #tpu.memory_space<vmem>>)
    "tpu.region"() ({
      %run_scoped3A = tpu.sem_alloc : memref<!tpu.dma_semaphore, #tpu.memory_space<semaphore_mem>>
      %dma_start3A_35 = tpu.memref_slice %arg8[%multiple_of3A] : memref<512xf32, #tpu.memory_space<hbm>> -> memref<16xf32, #tpu.memory_space<hbm>>
      %dma_start3A_36 = tpu.memref_slice %arg8[%multiple_of3A] : memref<512xf32, #tpu.memory_space<hbm>> -> memref<16xf32, #tpu.memory_space<hbm>>
      tpu.enqueue_dma source(%arg10 : memref<16xf32, #tpu.memory_space<vmem>>) target(%dma_start3A_36 : memref<16xf32, #tpu.memory_space<hbm>>) target_semaphore(%run_scoped3A : memref<!tpu.dma_semaphore, #tpu.memory_space<semaphore_mem>>)
      %dma_wait3A_37 = tpu.memref_slice %arg8[%multiple_of3A] : memref<512xf32, #tpu.memory_space<hbm>> -> memref<16xf32, #tpu.memory_space<hbm>>
      %dma_wait3A_38 = tpu.memref_slice %arg8[%multiple_of3A] : memref<512xf32, #tpu.memory_space<hbm>> -> memref<16xf32, #tpu.memory_space<hbm>>
      tpu.wait_dma2 semaphore(%run_scoped3A : memref<!tpu.dma_semaphore, #tpu.memory_space<semaphore_mem>>) src(%arg10 : memref<16xf32, #tpu.memory_space<vmem>>) dst(%dma_wait3A_38 : memref<16xf32, #tpu.memory_space<hbm>>)
      tpu.yield
    }) : () -> ()
    return
  }
}

module attributes {stable_mosaic.version = 14 : i64} {
  func.func @_gv_body(%arg0: memref<512xi32, #tpu.memory_space<smem>>, %arg1: memref<512xi32, #tpu.memory_space<smem>>, %arg2: memref<512x100000xf32, #tpu.memory_space<any>>, %arg3: memref<512x100000xf32, #tpu.memory_space<any>>, %arg4: memref<512x128xf32, #tpu.memory_space<vmem>>, %arg5: memref<512x128xf32, #tpu.memory_space<vmem>>, %arg6: memref<!tpu.dma_semaphore, #tpu.memory_space<semaphore_mem>>) attributes {dimension_semantics = [], scalar_prefetch = 0 : i64, scratch_operands = 1 : i64, tpu.core_type = #tpu.core_type<tc>} {
    %scan3A = arith.constant 0 : i32
    %scan3A_0 = arith.constant 512 : i32
    %scan3A_1 = arith.addi %scan3A, %scan3A_0 : i32
    %scan3A_2 = arith.constant 1 : i32
    scf.for %scan3A_9 = %scan3A to %scan3A_1 step %scan3A_2  : i32 {
      %get3A = arith.index_cast %scan3A_9 : i32 to index
      %get3A_10 = memref.load %arg0[%get3A] : memref<512xi32, #tpu.memory_space<smem>>
      %shift_right_logical3A = arith.constant 7 : i32
      %shift_right_logical3A_11 = arith.shrui %get3A_10, %shift_right_logical3A : i32
      %mul3A = arith.constant 128 : i32
      %mul3A_12 = arith.muli %shift_right_logical3A_11, %mul3A : i32
      %dma_start3A = arith.constant 0 : i32
      %dma_start3A_13 = tpu.memref_slice %arg4[%scan3A_9, %dma_start3A] : memref<512x128xf32, #tpu.memory_space<vmem>> -> memref<1x128xf32, #tpu.memory_space<vmem>>
      %dma_start3A_14 = tpu.memref_slice %arg2[%scan3A_9, %mul3A_12] : memref<512x100000xf32, #tpu.memory_space<any>> -> memref<1x128xf32, #tpu.memory_space<any>>
      tpu.enqueue_dma source(%dma_start3A_14 : memref<1x128xf32, #tpu.memory_space<any>>) target(%dma_start3A_13 : memref<1x128xf32, #tpu.memory_space<vmem>>) target_semaphore(%arg6 : memref<!tpu.dma_semaphore, #tpu.memory_space<semaphore_mem>>)
      %get3A_15 = arith.index_cast %scan3A_9 : i32 to index
      %get3A_16 = memref.load %arg1[%get3A_15] : memref<512xi32, #tpu.memory_space<smem>>
      %shift_right_logical3A_17 = arith.constant 7 : i32
      %shift_right_logical3A_18 = arith.shrui %get3A_16, %shift_right_logical3A_17 : i32
      %mul3A_19 = arith.constant 128 : i32
      %mul3A_20 = arith.muli %shift_right_logical3A_18, %mul3A_19 : i32
      %dma_start3A_21 = arith.constant 0 : i32
      %dma_start3A_22 = tpu.memref_slice %arg5[%scan3A_9, %dma_start3A_21] : memref<512x128xf32, #tpu.memory_space<vmem>> -> memref<1x128xf32, #tpu.memory_space<vmem>>
      %dma_start3A_23 = tpu.memref_slice %arg3[%scan3A_9, %mul3A_20] : memref<512x100000xf32, #tpu.memory_space<any>> -> memref<1x128xf32, #tpu.memory_space<any>>
      tpu.enqueue_dma source(%dma_start3A_23 : memref<1x128xf32, #tpu.memory_space<any>>) target(%dma_start3A_22 : memref<1x128xf32, #tpu.memory_space<vmem>>) target_semaphore(%arg6 : memref<!tpu.dma_semaphore, #tpu.memory_space<semaphore_mem>>)
    }
    %scan3A_3 = arith.constant 512 : i32
    %scan3A_4 = arith.constant 0 : i32
    %scan3A_5 = arith.constant 512 : i32
    %scan3A_6 = arith.addi %scan3A_4, %scan3A_5 : i32
    %scan3A_7 = arith.constant 1 : i32
    scf.for %scan3A_9 = %scan3A_4 to %scan3A_6 step %scan3A_7  : i32 {
      %get3A = arith.index_cast %scan3A_9 : i32 to index
      %get3A_10 = memref.load %arg0[%get3A] : memref<512xi32, #tpu.memory_space<smem>>
      %shift_right_logical3A = arith.constant 7 : i32
      %shift_right_logical3A_11 = arith.shrui %get3A_10, %shift_right_logical3A : i32
      %mul3A = arith.constant 128 : i32
      %mul3A_12 = arith.muli %shift_right_logical3A_11, %mul3A : i32
      %dma_wait3A = arith.constant 0 : i32
      %dma_wait3A_13 = tpu.memref_slice %arg4[%scan3A_9, %dma_wait3A] : memref<512x128xf32, #tpu.memory_space<vmem>> -> memref<1x128xf32, #tpu.memory_space<vmem>>
      %dma_wait3A_14 = tpu.memref_slice %arg2[%scan3A_9, %mul3A_12] : memref<512x100000xf32, #tpu.memory_space<any>> -> memref<1x128xf32, #tpu.memory_space<any>>
      tpu.wait_dma2 semaphore(%arg6 : memref<!tpu.dma_semaphore, #tpu.memory_space<semaphore_mem>>) src(%dma_wait3A_14 : memref<1x128xf32, #tpu.memory_space<any>>) dst(%dma_wait3A_13 : memref<1x128xf32, #tpu.memory_space<vmem>>)
      %get3A_15 = arith.index_cast %scan3A_9 : i32 to index
      %get3A_16 = memref.load %arg1[%get3A_15] : memref<512xi32, #tpu.memory_space<smem>>
      %shift_right_logical3A_17 = arith.constant 7 : i32
      %shift_right_logical3A_18 = arith.shrui %get3A_16, %shift_right_logical3A_17 : i32
      %mul3A_19 = arith.constant 128 : i32
      %mul3A_20 = arith.muli %shift_right_logical3A_18, %mul3A_19 : i32
      %dma_wait3A_21 = arith.constant 0 : i32
      %dma_wait3A_22 = tpu.memref_slice %arg5[%scan3A_9, %dma_wait3A_21] : memref<512x128xf32, #tpu.memory_space<vmem>> -> memref<1x128xf32, #tpu.memory_space<vmem>>
      %dma_wait3A_23 = tpu.memref_slice %arg3[%scan3A_9, %mul3A_20] : memref<512x100000xf32, #tpu.memory_space<any>> -> memref<1x128xf32, #tpu.memory_space<any>>
      tpu.wait_dma2 semaphore(%arg6 : memref<!tpu.dma_semaphore, #tpu.memory_space<semaphore_mem>>) src(%dma_wait3A_23 : memref<1x128xf32, #tpu.memory_space<any>>) dst(%dma_wait3A_22 : memref<1x128xf32, #tpu.memory_space<vmem>>)
    }
    %scan3A_8 = arith.constant 512 : i32
    return
  }
}

module attributes {stable_mosaic.version = 14 : i64} {
  func.func @_fused_body(%arg0: i32, %arg1: memref<512x2944xf32, #tpu.memory_space<vmem>>, %arg2: memref<512x2944xf32, #tpu.memory_space<vmem>>, %arg3: memref<512x1000xf32, #tpu.memory_space<vmem>>, %arg4: memref<512x1000xf32, #tpu.memory_space<vmem>>, %arg5: memref<512x128xf32, #tpu.memory_space<vmem>>, %arg6: memref<512x128xf32, #tpu.memory_space<vmem>>, %arg7: memref<512x1xf32, #tpu.memory_space<vmem>>, %arg8: memref<512x1xf32, #tpu.memory_space<vmem>>, %arg9: memref<512x1xf32, #tpu.memory_space<vmem>>, %arg10: memref<512x1xi32, #tpu.memory_space<vmem>>, %arg11: memref<512x1xi32, #tpu.memory_space<vmem>>, %arg12: memref<512x1xi32, #tpu.memory_space<vmem>>, %arg13: memref<512x1xi32, #tpu.memory_space<vmem>>, %arg14: memref<512x1xi32, #tpu.memory_space<vmem>>, %arg15: memref<1x1xf32, #tpu.memory_space<smem>>, %arg16: memref<1x1xi32, #tpu.memory_space<smem>>, %arg17: memref<1x1xf32, #tpu.memory_space<smem>>, %arg18: memref<1x1xi32, #tpu.memory_space<smem>>, %arg19: memref<1x1xf32, #tpu.memory_space<smem>>, %arg20: memref<1x1xi32, #tpu.memory_space<smem>>, %arg21: memref<1x1xf32, #tpu.memory_space<smem>>, %arg22: memref<1x1xi32, #tpu.memory_space<smem>>, %arg23: memref<1x1xf32, #tpu.memory_space<smem>>, %arg24: memref<1x1xi32, #tpu.memory_space<smem>>, %arg25: memref<1x1xf32, #tpu.memory_space<smem>>, %arg26: memref<1x1xi32, #tpu.memory_space<smem>>, %arg27: memref<512x1xi32, #tpu.memory_space<vmem>>, %arg28: memref<512x1xi32, #tpu.memory_space<vmem>>, %arg29: memref<512x1xi32, #tpu.memory_space<vmem>>, %arg30: memref<512x1xi32, #tpu.memory_space<vmem>>, %arg31: memref<512x1xi32, #tpu.memory_space<vmem>>, %arg32: memref<512x1xi32, #tpu.memory_space<vmem>>) attributes {dimension_semantics = [#tpu.dimension_semantics<arbitrary>], iteration_bounds = array<i64: 34>, scalar_prefetch = 0 : i64, scratch_operands = 6 : i64, tpu.core_type = #tpu.core_type<tc>, window_params = [{transform_indices = @transform_0, window_bounds = array<i64: 512, 2944>}, {transform_indices = @transform_1, window_bounds = array<i64: 512, 2944>}, {pipeline_mode = #tpu.pipeline_mode<synchronous>, transform_indices = @transform_2, window_bounds = array<i64: 512, 1000>}, {pipeline_mode = #tpu.pipeline_mode<synchronous>, transform_indices = @transform_3, window_bounds = array<i64: 512, 1000>}, {pipeline_mode = #tpu.pipeline_mode<synchronous>, transform_indices = @transform_4, window_bounds = array<i64: 512, 128>}, {pipeline_mode = #tpu.pipeline_mode<synchronous>, transform_indices = @transform_5, window_bounds = array<i64: 512, 128>}, {pipeline_mode = #tpu.pipeline_mode<synchronous>, transform_indices = @transform_6, window_bounds = array<i64: 512, 1>}, {pipeline_mode = #tpu.pipeline_mode<synchronous>, transform_indices = @transform_7, window_bounds = array<i64: 512, 1>}, {pipeline_mode = #tpu.pipeline_mode<synchronous>, transform_indices = @transform_8, window_bounds = array<i64: 512, 1>}, {pipeline_mode = #tpu.pipeline_mode<synchronous>, transform_indices = @transform_9, window_bounds = array<i64: 512, 1>}, {pipeline_mode = #tpu.pipeline_mode<synchronous>, transform_indices = @transform_10, window_bounds = array<i64: 512, 1>}, {pipeline_mode = #tpu.pipeline_mode<synchronous>, transform_indices = @transform_11, window_bounds = array<i64: 512, 1>}, {pipeline_mode = #tpu.pipeline_mode<synchronous>, transform_indices = @transform_12, window_bounds = array<i64: 512, 1>}, {pipeline_mode = #tpu.pipeline_mode<synchronous>, transform_indices = @transform_13, window_bounds = array<i64: 512, 1>}, {transform_indices = @transform_14, window_bounds = array<i64: 1, 1>}, {transform_indices = @transform_15, window_bounds = array<i64: 1, 1>}, {transform_indices = @transform_16, window_bounds = array<i64: 1, 1>}, {transform_indices = @transform_17, window_bounds = array<i64: 1, 1>}, {transform_indices = @transform_18, window_bounds = array<i64: 1, 1>}, {transform_indices = @transform_19, window_bounds = array<i64: 1, 1>}, {transform_indices = @transform_20, window_bounds = array<i64: 1, 1>}, {transform_indices = @transform_21, window_bounds = array<i64: 1, 1>}, {transform_indices = @transform_22, window_bounds = array<i64: 1, 1>}, {transform_indices = @transform_23, window_bounds = array<i64: 1, 1>}, {transform_indices = @transform_24, window_bounds = array<i64: 1, 1>}, {transform_indices = @transform_25, window_bounds = array<i64: 1, 1>}]} {
    %eq3A = arith.constant 0 : i32
    %eq3A_0 = arith.cmpi eq, %arg0, %eq3A : i32
    %convert_element_type3A = arith.extui %eq3A_0 : i1 to i32
    %cond3A = arith.constant 0 : i32
    %cond3A_1 = arith.cmpi ne, %convert_element_type3A, %cond3A : i32
    scf.if %cond3A_1 {
      %broadcast_in_dim3A = arith.constant 0 : i32
      %broadcast_in_dim3A_16 = vector.broadcast %broadcast_in_dim3A : i32 to vector<512x1xi32>
      %swap3A = arith.constant 0 : index
      %swap3A_17 = arith.constant 0 : index
      %swap3A_18 = vector.load %arg27[%swap3A, %swap3A_17] : memref<512x1xi32, #tpu.memory_space<vmem>>, vector<512x1xi32>
      tpu.vector_store %arg27[%swap3A, %swap3A_17], %broadcast_in_dim3A_16 {strides = array<i32>} : memref<512x1xi32, #tpu.memory_space<vmem>>, vector<512x1xi32>,
      %broadcast_in_dim3A_19 = arith.constant 0 : i32
      %broadcast_in_dim3A_20 = vector.broadcast %broadcast_in_dim3A_19 : i32 to vector<512x1xi32>
      %swap3A_21 = arith.constant 0 : index
      %swap3A_22 = arith.constant 0 : index
      %swap3A_23 = vector.load %arg28[%swap3A_21, %swap3A_22] : memref<512x1xi32, #tpu.memory_space<vmem>>, vector<512x1xi32>
      tpu.vector_store %arg28[%swap3A_21, %swap3A_22], %broadcast_in_dim3A_20 {strides = array<i32>} : memref<512x1xi32, #tpu.memory_space<vmem>>, vector<512x1xi32>,
      %broadcast_in_dim3A_24 = arith.constant 0 : i32
      %broadcast_in_dim3A_25 = vector.broadcast %broadcast_in_dim3A_24 : i32 to vector<512x1xi32>
      %swap3A_26 = arith.constant 0 : index
      %swap3A_27 = arith.constant 0 : index
      %swap3A_28 = vector.load %arg29[%swap3A_26, %swap3A_27] : memref<512x1xi32, #tpu.memory_space<vmem>>, vector<512x1xi32>
      tpu.vector_store %arg29[%swap3A_26, %swap3A_27], %broadcast_in_dim3A_25 {strides = array<i32>} : memref<512x1xi32, #tpu.memory_space<vmem>>, vector<512x1xi32>,
      %broadcast_in_dim3A_29 = arith.constant 0 : i32
      %broadcast_in_dim3A_30 = vector.broadcast %broadcast_in_dim3A_29 : i32 to vector<512x1xi32>
      %swap3A_31 = arith.constant 0 : index
      %swap3A_32 = arith.constant 0 : index
      %swap3A_33 = vector.load %arg30[%swap3A_31, %swap3A_32] : memref<512x1xi32, #tpu.memory_space<vmem>>, vector<512x1xi32>
      tpu.vector_store %arg30[%swap3A_31, %swap3A_32], %broadcast_in_dim3A_30 {strides = array<i32>} : memref<512x1xi32, #tpu.memory_space<vmem>>, vector<512x1xi32>,
      %iota3A = tpu.iota {dimensions = array<i32: 1>} : vector<512x128xi32>
      %get3A = arith.constant 0 : index
      %get3A_34 = arith.constant 0 : index
      %get3A_35 = vector.load %arg10[%get3A, %get3A_34] : memref<512x1xi32, #tpu.memory_space<vmem>>, vector<512x1xi32>
      %jit3A = arith.constant 128 : i32
      %eq3A_36 = arith.constant 0 : i32
      %eq3A_37 = arith.cmpi eq, %jit3A, %eq3A_36 : i32
      %jit3A_38 = arith.constant 1 : i32
      %select_n3A = arith.select %eq3A_37, %jit3A_38, %jit3A : i32
      %rem3A = vector.broadcast %select_n3A : i32 to vector<512x1xi32>
      %rem3A_39 = arith.remsi %get3A_35, %rem3A : vector<512x1xi32>
      %ne3A = arith.constant 0 : i32
      %ne3A_40 = vector.broadcast %ne3A : i32 to vector<512x1xi32>
      %ne3A_41 = arith.cmpi ne, %rem3A_39, %ne3A_40 : vector<512x1xi32>
      %lt3A_42 = arith.constant 0 : i32
      %lt3A_43 = vector.broadcast %lt3A_42 : i32 to vector<512x1xi32>
      %lt3A_44 = arith.cmpi slt, %rem3A_39, %lt3A_43 : vector<512x1xi32>
      %lt3A_45 = arith.constant 0 : i32
      %lt3A_46 = arith.cmpi slt, %select_n3A, %lt3A_45 : i32
      %ne3A_47 = vector.broadcast %lt3A_46 : i1 to vector<512x1xi1>
      %ne3A_48 = vector.broadcast %ne3A_47 : vector<512x1xi1> to vector<512x1xi1>
      %ne3A_49 = arith.xori %lt3A_44, %ne3A_48 : vector<512x1xi1>
      %and3A = arith.andi %ne3A_49, %ne3A_41 : vector<512x1xi1>
      %add3A = vector.broadcast %select_n3A : i32 to vector<512x1xi32>
      %add3A_50 = arith.addi %rem3A_39, %add3A : vector<512x1xi32>
      %select_n3A_51 = arith.select %and3A, %add3A_50, %rem3A_39 : vector<512x1xi1>, vector<512x1xi32>
      %eq3A_52 = vector.broadcast %select_n3A_51 : vector<512x1xi32> to vector<512x128xi32>
      %eq3A_53 = arith.cmpi eq, %iota3A, %eq3A_52 : vector<512x128xi32>
      %get3A_54 = arith.constant 0 : index
      %get3A_55 = arith.constant 0 : index
      %get3A_56 = vector.load %arg11[%get3A_54, %get3A_55] : memref<512x1xi32, #tpu.memory_space<vmem>>, vector<512x1xi32>
      %jit3A_57 = arith.constant 128 : i32
      %eq3A_58 = arith.constant 0 : i32
      %eq3A_59 = arith.cmpi eq, %jit3A_57, %eq3A_58 : i32
      %jit3A_60 = arith.constant 1 : i32
      %select_n3A_61 = arith.select %eq3A_59, %jit3A_60, %jit3A_57 : i32
      %rem3A_62 = vector.broadcast %select_n3A_61 : i32 to vector<512x1xi32>
      %rem3A_63 = arith.remsi %get3A_56, %rem3A_62 : vector<512x1xi32>
      %ne3A_64 = arith.constant 0 : i32
      %ne3A_65 = vector.broadcast %ne3A_64 : i32 to vector<512x1xi32>
      %ne3A_66 = arith.cmpi ne, %rem3A_63, %ne3A_65 : vector<512x1xi32>
      %lt3A_67 = arith.constant 0 : i32
      %lt3A_68 = vector.broadcast %lt3A_67 : i32 to vector<512x1xi32>
      %lt3A_69 = arith.cmpi slt, %rem3A_63, %lt3A_68 : vector<512x1xi32>
      %lt3A_70 = arith.constant 0 : i32
      %lt3A_71 = arith.cmpi slt, %select_n3A_61, %lt3A_70 : i32
      %ne3A_72 = vector.broadcast %lt3A_71 : i1 to vector<512x1xi1>
      %ne3A_73 = vector.broadcast %ne3A_72 : vector<512x1xi1> to vector<512x1xi1>
      %ne3A_74 = arith.xori %lt3A_69, %ne3A_73 : vector<512x1xi1>
      %and3A_75 = arith.andi %ne3A_74, %ne3A_66 : vector<512x1xi1>
      %add3A_76 = vector.broadcast %select_n3A_61 : i32 to vector<512x1xi32>
      %add3A_77 = arith.addi %rem3A_63, %add3A_76 : vector<512x1xi32>
      %select_n3A_78 = arith.select %and3A_75, %add3A_77, %rem3A_63 : vector<512x1xi1>, vector<512x1xi32>
      %eq3A_79 = vector.broadcast %select_n3A_78 : vector<512x1xi32> to vector<512x128xi32>
      %eq3A_80 = arith.cmpi eq, %iota3A, %eq3A_79 : vector<512x128xi32>
      %get3A_81 = arith.constant 0 : index
      %get3A_82 = arith.constant 0 : index
      %get3A_83 = vector.load %arg5[%get3A_81, %get3A_82] : memref<512x128xf32, #tpu.memory_space<vmem>>, vector<512x128xf32>
      %jit3A_84 = arith.constant 0.000000e+00 : f32
      %broadcast_in_dim3A_85 = vector.broadcast %jit3A_84 : f32 to vector<512x128xf32>
      %select_n3A_86 = arith.select %eq3A_53, %get3A_83, %broadcast_in_dim3A_85 : vector<512x128xi1>, vector<512x128xf32>
      %reduce_sum3A = arith.constant dense<0.000000e+00> : vector<512xf32>
      %reduce_sum3A_87 = vector.multi_reduction <add>, %select_n3A_86, %reduce_sum3A [1] : vector<512x128xf32> to vector<512xf32>
      %broadcast_in_dim3A_88 = vector.shape_cast %reduce_sum3A_87 : vector<512xf32> to vector<512x1xf32>
      %get3A_89 = arith.constant 0 : index
      %get3A_90 = arith.constant 0 : index
      %get3A_91 = vector.load %arg6[%get3A_89, %get3A_90] : memref<512x128xf32, #tpu.memory_space<vmem>>, vector<512x128xf32>
      %jit3A_92 = arith.constant 0.000000e+00 : f32
      %broadcast_in_dim3A_93 = vector.broadcast %jit3A_92 : f32 to vector<512x128xf32>
      %select_n3A_94 = arith.select %eq3A_80, %get3A_91, %broadcast_in_dim3A_93 : vector<512x128xi1>, vector<512x128xf32>
      %reduce_sum3A_95 = arith.constant dense<0.000000e+00> : vector<512xf32>
      %reduce_sum3A_96 = vector.multi_reduction <add>, %select_n3A_94, %reduce_sum3A_95 [1] : vector<512x128xf32> to vector<512xf32>
      %broadcast_in_dim3A_97 = vector.shape_cast %reduce_sum3A_96 : vector<512xf32> to vector<512x1xf32>
      %bitcast_convert_type3A = tpu.bitcast %broadcast_in_dim3A_88 : vector<512x1xf32> -> vector<512x1xi32>
      %shift_right_arithmetic3A = arith.constant 31 : i32
      %shift_right_arithmetic3A_98 = vector.broadcast %shift_right_arithmetic3A : i32 to vector<512x1xi32>
      %shift_right_arithmetic3A_99 = arith.shrsi %bitcast_convert_type3A, %shift_right_arithmetic3A_98 : vector<512x1xi32>
      %and3A_100 = arith.constant 2147483647 : i32
      %and3A_101 = vector.broadcast %and3A_100 : i32 to vector<512x1xi32>
      %and3A_102 = arith.andi %shift_right_arithmetic3A_99, %and3A_101 : vector<512x1xi32>
      %xor3A = arith.xori %bitcast_convert_type3A, %and3A_102 : vector<512x1xi32>
      %swap3A_103 = arith.constant 0 : index
      %swap3A_104 = arith.constant 0 : index
      %swap3A_105 = vector.load %arg31[%swap3A_103, %swap3A_104] : memref<512x1xi32, #tpu.memory_space<vmem>>, vector<512x1xi32>
      tpu.vector_store %arg31[%swap3A_103, %swap3A_104], %xor3A {strides = array<i32>} : memref<512x1xi32, #tpu.memory_space<vmem>>, vector<512x1xi32>,
      %bitcast_convert_type3A_106 = tpu.bitcast %broadcast_in_dim3A_97 : vector<512x1xf32> -> vector<512x1xi32>
      %shift_right_arithmetic3A_107 = arith.constant 31 : i32
      %shift_right_arithmetic3A_108 = vector.broadcast %shift_right_arithmetic3A_107 : i32 to vector<512x1xi32>
      %shift_right_arithmetic3A_109 = arith.shrsi %bitcast_convert_type3A_106, %shift_right_arithmetic3A_108 : vector<512x1xi32>
      %and3A_110 = arith.constant 2147483647 : i32
      %and3A_111 = vector.broadcast %and3A_110 : i32 to vector<512x1xi32>
      %and3A_112 = arith.andi %shift_right_arithmetic3A_109, %and3A_111 : vector<512x1xi32>
      %xor3A_113 = arith.xori %bitcast_convert_type3A_106, %and3A_112 : vector<512x1xi32>
      %swap3A_114 = arith.constant 0 : index
      %swap3A_115 = arith.constant 0 : index
      %swap3A_116 = vector.load %arg32[%swap3A_114, %swap3A_115] : memref<512x1xi32, #tpu.memory_space<vmem>>, vector<512x1xi32>
      tpu.vector_store %arg32[%swap3A_114, %swap3A_115], %xor3A_113 {strides = array<i32>} : memref<512x1xi32, #tpu.memory_space<vmem>>, vector<512x1xi32>,
    } else {
    }
    %lt3A = arith.constant 33 : i32
    %lt3A_2 = arith.cmpi slt, %arg0, %lt3A : i32
    %convert_element_type3A_3 = arith.extui %lt3A_2 : i1 to i32
    %cond3A_4 = arith.constant 0 : i32
    %cond3A_5 = arith.cmpi ne, %convert_element_type3A_3, %cond3A_4 : i32
    scf.if %cond3A_5 {
      %get3A = arith.constant 0 : index
      %get3A_16 = arith.constant 0 : index
      %get3A_17 = vector.load %arg31[%get3A, %get3A_16] : memref<512x1xi32, #tpu.memory_space<vmem>>, vector<512x1xi32>
      %get3A_18 = arith.constant 0 : index
      %get3A_19 = arith.constant 0 : index
      %get3A_20 = vector.load %arg32[%get3A_18, %get3A_19] : memref<512x1xi32, #tpu.memory_space<vmem>>, vector<512x1xi32>
      %iota3A = tpu.iota {dimensions = array<i32: 1>} : vector<512x2944xi32>
      %get3A_21 = arith.constant 0 : index
      %get3A_22 = arith.constant 0 : index
      %get3A_23 = vector.load %arg10[%get3A_21, %get3A_22] : memref<512x1xi32, #tpu.memory_space<vmem>>, vector<512x1xi32>
      %mul3A = arith.constant 2944 : i32
      %mul3A_24 = arith.muli %arg0, %mul3A : i32
      %sub3A = vector.broadcast %mul3A_24 : i32 to vector<512x1xi32>
      %sub3A_25 = arith.subi %get3A_23, %sub3A : vector<512x1xi32>
      %lt3A_26 = vector.broadcast %sub3A_25 : vector<512x1xi32> to vector<512x2944xi32>
      %lt3A_27 = arith.cmpi slt, %iota3A, %lt3A_26 : vector<512x2944xi32>
      %jit3A = arith.constant 1 : i32
      %jit3A_28 = arith.constant 0 : i32
      %broadcast_in_dim3A = vector.broadcast %jit3A : i32 to vector<512x2944xi32>
      %broadcast_in_dim3A_29 = vector.broadcast %jit3A_28 : i32 to vector<512x2944xi32>
      %select_n3A = arith.select %lt3A_27, %broadcast_in_dim3A, %broadcast_in_dim3A_29 : vector<512x2944xi1>, vector<512x2944xi32>
      %get3A_30 = arith.constant 0 : index
      %get3A_31 = arith.constant 0 : index
      %get3A_32 = vector.load %arg11[%get3A_30, %get3A_31] : memref<512x1xi32, #tpu.memory_space<vmem>>, vector<512x1xi32>
      %mul3A_33 = arith.constant 2944 : i32
      %mul3A_34 = arith.muli %arg0, %mul3A_33 : i32
      %sub3A_35 = vector.broadcast %mul3A_34 : i32 to vector<512x1xi32>
      %sub3A_36 = arith.subi %get3A_32, %sub3A_35 : vector<512x1xi32>
      %lt3A_37 = vector.broadcast %sub3A_36 : vector<512x1xi32> to vector<512x2944xi32>
      %lt3A_38 = arith.cmpi slt, %iota3A, %lt3A_37 : vector<512x2944xi32>
      %jit3A_39 = arith.constant 1 : i32
      %jit3A_40 = arith.constant 0 : i32
      %broadcast_in_dim3A_41 = vector.broadcast %jit3A_39 : i32 to vector<512x2944xi32>
      %broadcast_in_dim3A_42 = vector.broadcast %jit3A_40 : i32 to vector<512x2944xi32>
      %select_n3A_43 = arith.select %lt3A_38, %broadcast_in_dim3A_41, %broadcast_in_dim3A_42 : vector<512x2944xi1>, vector<512x2944xi32>
      %get3A_44 = arith.constant 0 : index
      %get3A_45 = arith.constant 0 : index
      %get3A_46 = vector.load %arg1[%get3A_44, %get3A_45] : memref<512x2944xf32, #tpu.memory_space<vmem>>, vector<512x2944xf32>
      %bitcast_convert_type3A = tpu.bitcast %get3A_46 : vector<512x2944xf32> -> vector<512x2944xi32>
      %shift_right_arithmetic3A = arith.constant 31 : i32
      %shift_right_arithmetic3A_47 = vector.broadcast %shift_right_arithmetic3A : i32 to vector<512x2944xi32>
      %shift_right_arithmetic3A_48 = arith.shrsi %bitcast_convert_type3A, %shift_right_arithmetic3A_47 : vector<512x2944xi32>
      %and3A = arith.constant 2147483647 : i32
      %and3A_49 = vector.broadcast %and3A : i32 to vector<512x2944xi32>
      %and3A_50 = arith.andi %shift_right_arithmetic3A_48, %and3A_49 : vector<512x2944xi32>
      %xor3A = arith.xori %bitcast_convert_type3A, %and3A_50 : vector<512x2944xi32>
      %get3A_51 = arith.constant 0 : index
      %get3A_52 = arith.constant 0 : index
      %get3A_53 = vector.load %arg2[%get3A_51, %get3A_52] : memref<512x2944xf32, #tpu.memory_space<vmem>>, vector<512x2944xf32>
      %bitcast_convert_type3A_54 = tpu.bitcast %get3A_53 : vector<512x2944xf32> -> vector<512x2944xi32>
      %shift_right_arithmetic3A_55 = arith.constant 31 : i32
      %shift_right_arithmetic3A_56 = vector.broadcast %shift_right_arithmetic3A_55 : i32 to vector<512x2944xi32>
      %shift_right_arithmetic3A_57 = arith.shrsi %bitcast_convert_type3A_54, %shift_right_arithmetic3A_56 : vector<512x2944xi32>
      %and3A_58 = arith.constant 2147483647 : i32
      %and3A_59 = vector.broadcast %and3A_58 : i32 to vector<512x2944xi32>
      %and3A_60 = arith.andi %shift_right_arithmetic3A_57, %and3A_59 : vector<512x2944xi32>
      %xor3A_61 = arith.xori %bitcast_convert_type3A_54, %and3A_60 : vector<512x2944xi32>
      %get3A_62 = arith.constant 0 : index
      %get3A_63 = arith.constant 0 : index
      %get3A_64 = vector.load %arg27[%get3A_62, %get3A_63] : memref<512x1xi32, #tpu.memory_space<vmem>>, vector<512x1xi32>
      %add3A = arith.addi %xor3A, %select_n3A : vector<512x2944xi32>
      %gt3A = vector.broadcast %get3A_17 : vector<512x1xi32> to vector<512x2944xi32>
      %gt3A_65 = arith.cmpi sgt, %add3A, %gt3A : vector<512x2944xi32>
      %convert_element_type3A_66 = arith.extui %gt3A_65 : vector<512x2944xi1> to vector<512x2944xi32>
      %reduce_sum3A = arith.constant dense<0> : vector<512xi32>
      %reduce_sum3A_67 = vector.multi_reduction <add>, %convert_element_type3A_66, %reduce_sum3A [1] : vector<512x2944xi32> to vector<512xi32>
      %broadcast_in_dim3A_68 = vector.shape_cast %reduce_sum3A_67 : vector<512xi32> to vector<512x1xi32>
      %add3A_69 = arith.addi %get3A_64, %broadcast_in_dim3A_68 : vector<512x1xi32>
      %swap3A = arith.constant 0 : index
      %swap3A_70 = arith.constant 0 : index
      %swap3A_71 = vector.load %arg27[%swap3A, %swap3A_70] : memref<512x1xi32, #tpu.memory_space<vmem>>, vector<512x1xi32>
      tpu.vector_store %arg27[%swap3A, %swap3A_70], %add3A_69 {strides = array<i32>} : memref<512x1xi32, #tpu.memory_space<vmem>>, vector<512x1xi32>,
      %get3A_72 = arith.constant 0 : index
      %get3A_73 = arith.constant 0 : index
      %get3A_74 = vector.load %arg28[%get3A_72, %get3A_73] : memref<512x1xi32, #tpu.memory_space<vmem>>, vector<512x1xi32>
      %sub3A_75 = arith.constant 1 : i32
      %sub3A_76 = vector.broadcast %sub3A_75 : i32 to vector<512x1xi32>
      %sub3A_77 = arith.subi %get3A_20, %sub3A_76 : vector<512x1xi32>
      %gt3A_78 = vector.broadcast %sub3A_77 : vector<512x1xi32> to vector<512x2944xi32>
      %gt3A_79 = arith.cmpi sgt, %xor3A, %gt3A_78 : vector<512x2944xi32>
      %convert_element_type3A_80 = arith.extui %gt3A_79 : vector<512x2944xi1> to vector<512x2944xi32>
      %reduce_sum3A_81 = arith.constant dense<0> : vector<512xi32>
      %reduce_sum3A_82 = vector.multi_reduction <add>, %convert_element_type3A_80, %reduce_sum3A_81 [1] : vector<512x2944xi32> to vector<512xi32>
      %broadcast_in_dim3A_83 = vector.shape_cast %reduce_sum3A_82 : vector<512xi32> to vector<512x1xi32>
      %add3A_84 = arith.addi %get3A_74, %broadcast_in_dim3A_83 : vector<512x1xi32>
      %swap3A_85 = arith.constant 0 : index
      %swap3A_86 = arith.constant 0 : index
      %swap3A_87 = vector.load %arg28[%swap3A_85, %swap3A_86] : memref<512x1xi32, #tpu.memory_space<vmem>>, vector<512x1xi32>
      tpu.vector_store %arg28[%swap3A_85, %swap3A_86], %add3A_84 {strides = array<i32>} : memref<512x1xi32, #tpu.memory_space<vmem>>, vector<512x1xi32>,
      %get3A_88 = arith.constant 0 : index
      %get3A_89 = arith.constant 0 : index
      %get3A_90 = vector.load %arg29[%get3A_88, %get3A_89] : memref<512x1xi32, #tpu.memory_space<vmem>>, vector<512x1xi32>
      %add3A_91 = arith.addi %xor3A_61, %select_n3A_43 : vector<512x2944xi32>
      %gt3A_92 = vector.broadcast %get3A_20 : vector<512x1xi32> to vector<512x2944xi32>
      %gt3A_93 = arith.cmpi sgt, %add3A_91, %gt3A_92 : vector<512x2944xi32>
      %convert_element_type3A_94 = arith.extui %gt3A_93 : vector<512x2944xi1> to vector<512x2944xi32>
      %reduce_sum3A_95 = arith.constant dense<0> : vector<512xi32>
      %reduce_sum3A_96 = vector.multi_reduction <add>, %convert_element_type3A_94, %reduce_sum3A_95 [1] : vector<512x2944xi32> to vector<512xi32>
      %broadcast_in_dim3A_97 = vector.shape_cast %reduce_sum3A_96 : vector<512xi32> to vector<512x1xi32>
      %add3A_98 = arith.addi %get3A_90, %broadcast_in_dim3A_97 : vector<512x1xi32>
      %swap3A_99 = arith.constant 0 : index
      %swap3A_100 = arith.constant 0 : index
      %swap3A_101 = vector.load %arg29[%swap3A_99, %swap3A_100] : memref<512x1xi32, #tpu.memory_space<vmem>>, vector<512x1xi32>
      tpu.vector_store %arg29[%swap3A_99, %swap3A_100], %add3A_98 {strides = array<i32>} : memref<512x1xi32, #tpu.memory_space<vmem>>, vector<512x1xi32>,
      %get3A_102 = arith.constant 0 : index
      %get3A_103 = arith.constant 0 : index
      %get3A_104 = vector.load %arg30[%get3A_102, %get3A_103] : memref<512x1xi32, #tpu.memory_space<vmem>>, vector<512x1xi32>
      %gt3A_105 = vector.broadcast %get3A_17 : vector<512x1xi32> to vector<512x2944xi32>
      %gt3A_106 = arith.cmpi sgt, %xor3A_61, %gt3A_105 : vector<512x2944xi32>
      %convert_element_type3A_107 = arith.extui %gt3A_106 : vector<512x2944xi1> to vector<512x2944xi32>
      %reduce_sum3A_108 = arith.constant dense<0> : vector<512xi32>
      %reduce_sum3A_109 = vector.multi_reduction <add>, %convert_element_type3A_107, %reduce_sum3A_108 [1] : vector<512x2944xi32> to vector<512xi32>
      %broadcast_in_dim3A_110 = vector.shape_cast %reduce_sum3A_109 : vector<512xi32> to vector<512x1xi32>
      %add3A_111 = arith.addi %get3A_104, %broadcast_in_dim3A_110 : vector<512x1xi32>
      %swap3A_112 = arith.constant 0 : index
      %swap3A_113 = arith.constant 0 : index
      %swap3A_114 = vector.load %arg30[%swap3A_112, %swap3A_113] : memref<512x1xi32, #tpu.memory_space<vmem>>, vector<512x1xi32>
      tpu.vector_store %arg30[%swap3A_112, %swap3A_113], %add3A_111 {strides = array<i32>} : memref<512x1xi32, #tpu.memory_space<vmem>>, vector<512x1xi32>,
    } else {
    }
    %eq3A_6 = arith.constant 33 : i32
    %eq3A_7 = arith.cmpi eq, %arg0, %eq3A_6 : i32
    %convert_element_type3A_8 = arith.extui %eq3A_7 : i1 to i32
    %cond3A_9 = arith.constant 0 : i32
    %cond3A_10 = arith.cmpi ne, %convert_element_type3A_8, %cond3A_9 : i32
    scf.if %cond3A_10 {
      %get3A = arith.constant 0 : index
      %get3A_16 = arith.constant 0 : index
      %get3A_17 = vector.load %arg31[%get3A, %get3A_16] : memref<512x1xi32, #tpu.memory_space<vmem>>, vector<512x1xi32>
      %get3A_18 = arith.constant 0 : index
      %get3A_19 = arith.constant 0 : index
      %get3A_20 = vector.load %arg32[%get3A_18, %get3A_19] : memref<512x1xi32, #tpu.memory_space<vmem>>, vector<512x1xi32>
      %iota3A = tpu.iota {dimensions = array<i32: 1>} : vector<512x2944xi32>
      %get3A_21 = arith.constant 0 : index
      %get3A_22 = arith.constant 0 : index
      %get3A_23 = vector.load %arg10[%get3A_21, %get3A_22] : memref<512x1xi32, #tpu.memory_space<vmem>>, vector<512x1xi32>
      %mul3A = arith.constant 2944 : i32
      %mul3A_24 = arith.muli %arg0, %mul3A : i32
      %sub3A = vector.broadcast %mul3A_24 : i32 to vector<512x1xi32>
      %sub3A_25 = arith.subi %get3A_23, %sub3A : vector<512x1xi32>
      %lt3A_26 = vector.broadcast %sub3A_25 : vector<512x1xi32> to vector<512x2944xi32>
      %lt3A_27 = arith.cmpi slt, %iota3A, %lt3A_26 : vector<512x2944xi32>
      %jit3A = arith.constant 1 : i32
      %jit3A_28 = arith.constant 0 : i32
      %broadcast_in_dim3A = vector.broadcast %jit3A : i32 to vector<512x2944xi32>
      %broadcast_in_dim3A_29 = vector.broadcast %jit3A_28 : i32 to vector<512x2944xi32>
      %select_n3A = arith.select %lt3A_27, %broadcast_in_dim3A, %broadcast_in_dim3A_29 : vector<512x2944xi1>, vector<512x2944xi32>
      %get3A_30 = arith.constant 0 : index
      %get3A_31 = arith.constant 0 : index
      %get3A_32 = vector.load %arg11[%get3A_30, %get3A_31] : memref<512x1xi32, #tpu.memory_space<vmem>>, vector<512x1xi32>
      %mul3A_33 = arith.constant 2944 : i32
      %mul3A_34 = arith.muli %arg0, %mul3A_33 : i32
      %sub3A_35 = vector.broadcast %mul3A_34 : i32 to vector<512x1xi32>
      %sub3A_36 = arith.subi %get3A_32, %sub3A_35 : vector<512x1xi32>
      %lt3A_37 = vector.broadcast %sub3A_36 : vector<512x1xi32> to vector<512x2944xi32>
      %lt3A_38 = arith.cmpi slt, %iota3A, %lt3A_37 : vector<512x2944xi32>
      %jit3A_39 = arith.constant 1 : i32
      %jit3A_40 = arith.constant 0 : i32
      %broadcast_in_dim3A_41 = vector.broadcast %jit3A_39 : i32 to vector<512x2944xi32>
      %broadcast_in_dim3A_42 = vector.broadcast %jit3A_40 : i32 to vector<512x2944xi32>
      %select_n3A_43 = arith.select %lt3A_38, %broadcast_in_dim3A_41, %broadcast_in_dim3A_42 : vector<512x2944xi1>, vector<512x2944xi32>
      %get3A_44 = arith.constant 0 : index
      %get3A_45 = arith.constant 0 : index
      %get3A_46 = vector.load %arg1[%get3A_44, %get3A_45] : memref<512x2944xf32, #tpu.memory_space<vmem>>, vector<512x2944xf32>
      %bitcast_convert_type3A = tpu.bitcast %get3A_46 : vector<512x2944xf32> -> vector<512x2944xi32>
      %shift_right_arithmetic3A = arith.constant 31 : i32
      %shift_right_arithmetic3A_47 = vector.broadcast %shift_right_arithmetic3A : i32 to vector<512x2944xi32>
      %shift_right_arithmetic3A_48 = arith.shrsi %bitcast_convert_type3A, %shift_right_arithmetic3A_47 : vector<512x2944xi32>
      %and3A = arith.constant 2147483647 : i32
      %and3A_49 = vector.broadcast %and3A : i32 to vector<512x2944xi32>
      %and3A_50 = arith.andi %shift_right_arithmetic3A_48, %and3A_49 : vector<512x2944xi32>
      %xor3A = arith.xori %bitcast_convert_type3A, %and3A_50 : vector<512x2944xi32>
      %get3A_51 = arith.constant 0 : index
      %get3A_52 = arith.constant 0 : index
      %get3A_53 = vector.load %arg2[%get3A_51, %get3A_52] : memref<512x2944xf32, #tpu.memory_space<vmem>>, vector<512x2944xf32>
      %bitcast_convert_type3A_54 = tpu.bitcast %get3A_53 : vector<512x2944xf32> -> vector<512x2944xi32>
      %shift_right_arithmetic3A_55 = arith.constant 31 : i32
      %shift_right_arithmetic3A_56 = vector.broadcast %shift_right_arithmetic3A_55 : i32 to vector<512x2944xi32>
      %shift_right_arithmetic3A_57 = arith.shrsi %bitcast_convert_type3A_54, %shift_right_arithmetic3A_56 : vector<512x2944xi32>
      %and3A_58 = arith.constant 2147483647 : i32
      %and3A_59 = vector.broadcast %and3A_58 : i32 to vector<512x2944xi32>
      %and3A_60 = arith.andi %shift_right_arithmetic3A_57, %and3A_59 : vector<512x2944xi32>
      %xor3A_61 = arith.xori %bitcast_convert_type3A_54, %and3A_60 : vector<512x2944xi32>
      %lt3A_62 = arith.constant 2848 : i32
      %lt3A_63 = vector.broadcast %lt3A_62 : i32 to vector<512x2944xi32>
      %lt3A_64 = arith.cmpi slt, %iota3A, %lt3A_63 : vector<512x2944xi32>
      %jit3A_65 = arith.constant -2147483648 : i32
      %broadcast_in_dim3A_66 = vector.broadcast %jit3A_65 : i32 to vector<512x2944xi32>
      %select_n3A_67 = arith.select %lt3A_64, %xor3A, %broadcast_in_dim3A_66 : vector<512x2944xi1>, vector<512x2944xi32>
      %jit3A_68 = arith.constant -2147483648 : i32
      %broadcast_in_dim3A_69 = vector.broadcast %jit3A_68 : i32 to vector<512x2944xi32>
      %select_n3A_70 = arith.select %lt3A_64, %xor3A_61, %broadcast_in_dim3A_69 : vector<512x2944xi1>, vector<512x2944xi32>
      %get3A_71 = arith.constant 0 : index
      %get3A_72 = arith.constant 0 : index
      %get3A_73 = vector.load %arg27[%get3A_71, %get3A_72] : memref<512x1xi32, #tpu.memory_space<vmem>>, vector<512x1xi32>
      %add3A = arith.addi %select_n3A_67, %select_n3A : vector<512x2944xi32>
      %gt3A = vector.broadcast %get3A_17 : vector<512x1xi32> to vector<512x2944xi32>
      %gt3A_74 = arith.cmpi sgt, %add3A, %gt3A : vector<512x2944xi32>
      %convert_element_type3A_75 = arith.extui %gt3A_74 : vector<512x2944xi1> to vector<512x2944xi32>
      %reduce_sum3A = arith.constant dense<0> : vector<512xi32>
      %reduce_sum3A_76 = vector.multi_reduction <add>, %convert_element_type3A_75, %reduce_sum3A [1] : vector<512x2944xi32> to vector<512xi32>
      %broadcast_in_dim3A_77 = vector.shape_cast %reduce_sum3A_76 : vector<512xi32> to vector<512x1xi32>
      %add3A_78 = arith.addi %get3A_73, %broadcast_in_dim3A_77 : vector<512x1xi32>
      %swap3A = arith.constant 0 : index
      %swap3A_79 = arith.constant 0 : index
      %swap3A_80 = vector.load %arg27[%swap3A, %swap3A_79] : memref<512x1xi32, #tpu.memory_space<vmem>>, vector<512x1xi32>
      tpu.vector_store %arg27[%swap3A, %swap3A_79], %add3A_78 {strides = array<i32>} : memref<512x1xi32, #tpu.memory_space<vmem>>, vector<512x1xi32>,
      %get3A_81 = arith.constant 0 : index
      %get3A_82 = arith.constant 0 : index
      %get3A_83 = vector.load %arg28[%get3A_81, %get3A_82] : memref<512x1xi32, #tpu.memory_space<vmem>>, vector<512x1xi32>
      %sub3A_84 = arith.constant 1 : i32
      %sub3A_85 = vector.broadcast %sub3A_84 : i32 to vector<512x1xi32>
      %sub3A_86 = arith.subi %get3A_20, %sub3A_85 : vector<512x1xi32>
      %gt3A_87 = vector.broadcast %sub3A_86 : vector<512x1xi32> to vector<512x2944xi32>
      %gt3A_88 = arith.cmpi sgt, %select_n3A_67, %gt3A_87 : vector<512x2944xi32>
      %convert_element_type3A_89 = arith.extui %gt3A_88 : vector<512x2944xi1> to vector<512x2944xi32>
      %reduce_sum3A_90 = arith.constant dense<0> : vector<512xi32>
      %reduce_sum3A_91 = vector.multi_reduction <add>, %convert_element_type3A_89, %reduce_sum3A_90 [1] : vector<512x2944xi32> to vector<512xi32>
      %broadcast_in_dim3A_92 = vector.shape_cast %reduce_sum3A_91 : vector<512xi32> to vector<512x1xi32>
      %add3A_93 = arith.addi %get3A_83, %broadcast_in_dim3A_92 : vector<512x1xi32>
      %swap3A_94 = arith.constant 0 : index
      %swap3A_95 = arith.constant 0 : index
      %swap3A_96 = vector.load %arg28[%swap3A_94, %swap3A_95] : memref<512x1xi32, #tpu.memory_space<vmem>>, vector<512x1xi32>
      tpu.vector_store %arg28[%swap3A_94, %swap3A_95], %add3A_93 {strides = array<i32>} : memref<512x1xi32, #tpu.memory_space<vmem>>, vector<512x1xi32>,
      %get3A_97 = arith.constant 0 : index
      %get3A_98 = arith.constant 0 : index
      %get3A_99 = vector.load %arg29[%get3A_97, %get3A_98] : memref<512x1xi32, #tpu.memory_space<vmem>>, vector<512x1xi32>
      %add3A_100 = arith.addi %select_n3A_70, %select_n3A_43 : vector<512x2944xi32>
      %gt3A_101 = vector.broadcast %get3A_20 : vector<512x1xi32> to vector<512x2944xi32>
      %gt3A_102 = arith.cmpi sgt, %add3A_100, %gt3A_101 : vector<512x2944xi32>
      %convert_element_type3A_103 = arith.extui %gt3A_102 : vector<512x2944xi1> to vector<512x2944xi32>
      %reduce_sum3A_104 = arith.constant dense<0> : vector<512xi32>
      %reduce_sum3A_105 = vector.multi_reduction <add>, %convert_element_type3A_103, %reduce_sum3A_104 [1] : vector<512x2944xi32> to vector<512xi32>
      %broadcast_in_dim3A_106 = vector.shape_cast %reduce_sum3A_105 : vector<512xi32> to vector<512x1xi32>
      %add3A_107 = arith.addi %get3A_99, %broadcast_in_dim3A_106 : vector<512x1xi32>
      %swap3A_108 = arith.constant 0 : index
      %swap3A_109 = arith.constant 0 : index
      %swap3A_110 = vector.load %arg29[%swap3A_108, %swap3A_109] : memref<512x1xi32, #tpu.memory_space<vmem>>, vector<512x1xi32>
      tpu.vector_store %arg29[%swap3A_108, %swap3A_109], %add3A_107 {strides = array<i32>} : memref<512x1xi32, #tpu.memory_space<vmem>>, vector<512x1xi32>,
      %get3A_111 = arith.constant 0 : index
      %get3A_112 = arith.constant 0 : index
      %get3A_113 = vector.load %arg30[%get3A_111, %get3A_112] : memref<512x1xi32, #tpu.memory_space<vmem>>, vector<512x1xi32>
      %gt3A_114 = vector.broadcast %get3A_17 : vector<512x1xi32> to vector<512x2944xi32>
      %gt3A_115 = arith.cmpi sgt, %select_n3A_70, %gt3A_114 : vector<512x2944xi32>
      %convert_element_type3A_116 = arith.extui %gt3A_115 : vector<512x2944xi1> to vector<512x2944xi32>
      %reduce_sum3A_117 = arith.constant dense<0> : vector<512xi32>
      %reduce_sum3A_118 = vector.multi_reduction <add>, %convert_element_type3A_116, %reduce_sum3A_117 [1] : vector<512x2944xi32> to vector<512xi32>
      %broadcast_in_dim3A_119 = vector.shape_cast %reduce_sum3A_118 : vector<512xi32> to vector<512x1xi32>
      %add3A_120 = arith.addi %get3A_113, %broadcast_in_dim3A_119 : vector<512x1xi32>
      %swap3A_121 = arith.constant 0 : index
      %swap3A_122 = arith.constant 0 : index
      %swap3A_123 = vector.load %arg30[%swap3A_121, %swap3A_122] : memref<512x1xi32, #tpu.memory_space<vmem>>, vector<512x1xi32>
      tpu.vector_store %arg30[%swap3A_121, %swap3A_122], %add3A_120 {strides = array<i32>} : memref<512x1xi32, #tpu.memory_space<vmem>>, vector<512x1xi32>,
    } else {
    }
    %eq3A_11 = arith.constant 33 : i32
    %eq3A_12 = arith.cmpi eq, %arg0, %eq3A_11 : i32
    %convert_element_type3A_13 = arith.extui %eq3A_12 : i1 to i32
    %cond3A_14 = arith.constant 0 : i32
    %cond3A_15 = arith.cmpi ne, %convert_element_type3A_13, %cond3A_14 : i32
    scf.if %cond3A_15 {
      %get3A = arith.constant 0 : index
      %get3A_16 = arith.constant 0 : index
      %get3A_17 = vector.load %arg3[%get3A, %get3A_16] : memref<512x1000xf32, #tpu.memory_space<vmem>>, vector<512x1000xf32>
      %get3A_18 = arith.constant 0 : index
      %get3A_19 = arith.constant 0 : index
      %get3A_20 = vector.load %arg4[%get3A_18, %get3A_19] : memref<512x1000xf32, #tpu.memory_space<vmem>>, vector<512x1000xf32>
      %bitcast_convert_type3A = tpu.bitcast %get3A_17 : vector<512x1000xf32> -> vector<512x1000xi32>
      %shift_right_arithmetic3A = arith.constant 31 : i32
      %shift_right_arithmetic3A_21 = vector.broadcast %shift_right_arithmetic3A : i32 to vector<512x1000xi32>
      %shift_right_arithmetic3A_22 = arith.shrsi %bitcast_convert_type3A, %shift_right_arithmetic3A_21 : vector<512x1000xi32>
      %and3A = arith.constant 2147483647 : i32
      %and3A_23 = vector.broadcast %and3A : i32 to vector<512x1000xi32>
      %and3A_24 = arith.andi %shift_right_arithmetic3A_22, %and3A_23 : vector<512x1000xi32>
      %xor3A = arith.xori %bitcast_convert_type3A, %and3A_24 : vector<512x1000xi32>
      %bitcast_convert_type3A_25 = tpu.bitcast %get3A_20 : vector<512x1000xf32> -> vector<512x1000xi32>
      %shift_right_arithmetic3A_26 = arith.constant 31 : i32
      %shift_right_arithmetic3A_27 = vector.broadcast %shift_right_arithmetic3A_26 : i32 to vector<512x1000xi32>
      %shift_right_arithmetic3A_28 = arith.shrsi %bitcast_convert_type3A_25, %shift_right_arithmetic3A_27 : vector<512x1000xi32>
      %and3A_29 = arith.constant 2147483647 : i32
      %and3A_30 = vector.broadcast %and3A_29 : i32 to vector<512x1000xi32>
      %and3A_31 = arith.andi %shift_right_arithmetic3A_28, %and3A_30 : vector<512x1000xi32>
      %xor3A_32 = arith.xori %bitcast_convert_type3A_25, %and3A_31 : vector<512x1000xi32>
      %iota3A = tpu.iota {dimensions = array<i32: 1>} : vector<512x1000xi32>
      %lt3A_33 = arith.constant 1000 : i32
      %lt3A_34 = vector.broadcast %lt3A_33 : i32 to vector<512x1000xi32>
      %lt3A_35 = arith.cmpi slt, %iota3A, %lt3A_34 : vector<512x1000xi32>
      %get3A_36 = arith.constant 0 : index
      %get3A_37 = arith.constant 0 : index
      %get3A_38 = vector.load %arg12[%get3A_36, %get3A_37] : memref<512x1xi32, #tpu.memory_space<vmem>>, vector<512x1xi32>
      %get3A_39 = arith.constant 0 : index
      %get3A_40 = arith.constant 0 : index
      %get3A_41 = vector.load %arg13[%get3A_39, %get3A_40] : memref<512x1xi32, #tpu.memory_space<vmem>>, vector<512x1xi32>
      %get3A_42 = arith.constant 0 : index
      %get3A_43 = arith.constant 0 : index
      %get3A_44 = vector.load %arg10[%get3A_42, %get3A_43] : memref<512x1xi32, #tpu.memory_space<vmem>>, vector<512x1xi32>
      %get3A_45 = arith.constant 0 : index
      %get3A_46 = arith.constant 0 : index
      %get3A_47 = vector.load %arg11[%get3A_45, %get3A_46] : memref<512x1xi32, #tpu.memory_space<vmem>>, vector<512x1xi32>
      %add3A = arith.addf %get3A_17, %get3A_20 : vector<512x1000xf32>
      %mul3A = arith.constant 5.000000e-01 : f32
      %mul3A_48 = vector.broadcast %mul3A : f32 to vector<512x1000xf32>
      %mul3A_49 = arith.mulf %add3A, %mul3A_48 : vector<512x1000xf32>
      %bitcast_convert_type3A_50 = tpu.bitcast %mul3A_49 : vector<512x1000xf32> -> vector<512x1000xi32>
      %shift_right_arithmetic3A_51 = arith.constant 31 : i32
      %shift_right_arithmetic3A_52 = vector.broadcast %shift_right_arithmetic3A_51 : i32 to vector<512x1000xi32>
      %shift_right_arithmetic3A_53 = arith.shrsi %bitcast_convert_type3A_50, %shift_right_arithmetic3A_52 : vector<512x1000xi32>
      %and3A_54 = arith.constant 2147483647 : i32
      %and3A_55 = vector.broadcast %and3A_54 : i32 to vector<512x1000xi32>
      %and3A_56 = arith.andi %shift_right_arithmetic3A_53, %and3A_55 : vector<512x1000xi32>
      %xor3A_57 = arith.xori %bitcast_convert_type3A_50, %and3A_56 : vector<512x1000xi32>
      %get3A_58 = arith.constant 0 : index
      %get3A_59 = arith.constant 0 : index
      %get3A_60 = vector.load %arg7[%get3A_58, %get3A_59] : memref<512x1xf32, #tpu.memory_space<vmem>>, vector<512x1xf32>
      %get3A_61 = arith.constant 0 : index
      %get3A_62 = arith.constant 0 : index
      %get3A_63 = vector.load %arg8[%get3A_61, %get3A_62] : memref<512x1xf32, #tpu.memory_space<vmem>>, vector<512x1xf32>
      %add3A_64 = arith.addf %get3A_60, %get3A_63 : vector<512x1xf32>
      %mul3A_65 = arith.constant 5.000000e-01 : f32
      %mul3A_66 = vector.broadcast %mul3A_65 : f32 to vector<512x1xf32>
      %mul3A_67 = arith.mulf %add3A_64, %mul3A_66 : vector<512x1xf32>
      %bitcast_convert_type3A_68 = tpu.bitcast %mul3A_67 : vector<512x1xf32> -> vector<512x1xi32>
      %shift_right_arithmetic3A_69 = arith.constant 31 : i32
      %shift_right_arithmetic3A_70 = vector.broadcast %shift_right_arithmetic3A_69 : i32 to vector<512x1xi32>
      %shift_right_arithmetic3A_71 = arith.shrsi %bitcast_convert_type3A_68, %shift_right_arithmetic3A_70 : vector<512x1xi32>
      %and3A_72 = arith.constant 2147483647 : i32
      %and3A_73 = vector.broadcast %and3A_72 : i32 to vector<512x1xi32>
      %and3A_74 = arith.andi %shift_right_arithmetic3A_71, %and3A_73 : vector<512x1xi32>
      %xor3A_75 = arith.xori %bitcast_convert_type3A_68, %and3A_74 : vector<512x1xi32>
      %get3A_76 = arith.constant 0 : index
      %get3A_77 = arith.constant 0 : index
      %get3A_78 = vector.load %arg7[%get3A_76, %get3A_77] : memref<512x1xf32, #tpu.memory_space<vmem>>, vector<512x1xf32>
      %bitcast_convert_type3A_79 = tpu.bitcast %get3A_78 : vector<512x1xf32> -> vector<512x1xi32>
      %shift_right_arithmetic3A_80 = arith.constant 31 : i32
      %shift_right_arithmetic3A_81 = vector.broadcast %shift_right_arithmetic3A_80 : i32 to vector<512x1xi32>
      %shift_right_arithmetic3A_82 = arith.shrsi %bitcast_convert_type3A_79, %shift_right_arithmetic3A_81 : vector<512x1xi32>
      %and3A_83 = arith.constant 2147483647 : i32
      %and3A_84 = vector.broadcast %and3A_83 : i32 to vector<512x1xi32>
      %and3A_85 = arith.andi %shift_right_arithmetic3A_82, %and3A_84 : vector<512x1xi32>
      %xor3A_86 = arith.xori %bitcast_convert_type3A_79, %and3A_85 : vector<512x1xi32>
      %get3A_87 = arith.constant 0 : index
      %get3A_88 = arith.constant 0 : index
      %get3A_89 = vector.load %arg9[%get3A_87, %get3A_88] : memref<512x1xf32, #tpu.memory_space<vmem>>, vector<512x1xf32>
      %bitcast_convert_type3A_90 = tpu.bitcast %get3A_89 : vector<512x1xf32> -> vector<512x1xi32>
      %shift_right_arithmetic3A_91 = arith.constant 31 : i32
      %shift_right_arithmetic3A_92 = vector.broadcast %shift_right_arithmetic3A_91 : i32 to vector<512x1xi32>
      %shift_right_arithmetic3A_93 = arith.shrsi %bitcast_convert_type3A_90, %shift_right_arithmetic3A_92 : vector<512x1xi32>
      %and3A_94 = arith.constant 2147483647 : i32
      %and3A_95 = vector.broadcast %and3A_94 : i32 to vector<512x1xi32>
      %and3A_96 = arith.andi %shift_right_arithmetic3A_93, %and3A_95 : vector<512x1xi32>
      %xor3A_97 = arith.xori %bitcast_convert_type3A_90, %and3A_96 : vector<512x1xi32>
      %lt3A_98 = vector.broadcast %get3A_38 : vector<512x1xi32> to vector<512x1000xi32>
      %lt3A_99 = arith.cmpi slt, %iota3A, %lt3A_98 : vector<512x1000xi32>
      %gt3A = vector.broadcast %xor3A_75 : vector<512x1xi32> to vector<512x1000xi32>
      %gt3A_100 = arith.cmpi sgt, %xor3A_57, %gt3A : vector<512x1000xi32>
      %eq3A_101 = vector.broadcast %xor3A_75 : vector<512x1xi32> to vector<512x1000xi32>
      %eq3A_102 = arith.cmpi eq, %xor3A_57, %eq3A_101 : vector<512x1000xi32>
      %and3A_103 = arith.andi %eq3A_102, %lt3A_99 : vector<512x1000xi1>
      %or3A = arith.ori %gt3A_100, %and3A_103 : vector<512x1000xi1>
      %and3A_104 = arith.andi %lt3A_35, %or3A : vector<512x1000xi1>
      %convert_element_type3A_105 = arith.extui %and3A_104 : vector<512x1000xi1> to vector<512x1000xi32>
      %reduce_sum3A = arith.constant dense<0> : vector<512xi32>
      %reduce_sum3A_106 = vector.multi_reduction <add>, %convert_element_type3A_105, %reduce_sum3A [1] : vector<512x1000xi32> to vector<512xi32>
      %broadcast_in_dim3A = vector.shape_cast %reduce_sum3A_106 : vector<512xi32> to vector<512x1xi32>
      %gt3A_107 = vector.broadcast %xor3A_86 : vector<512x1xi32> to vector<512x1000xi32>
      %gt3A_108 = arith.cmpi sgt, %xor3A, %gt3A_107 : vector<512x1000xi32>
      %eq3A_109 = vector.broadcast %xor3A_86 : vector<512x1xi32> to vector<512x1000xi32>
      %eq3A_110 = arith.cmpi eq, %xor3A, %eq3A_109 : vector<512x1000xi32>
      %and3A_111 = arith.andi %eq3A_110, %lt3A_99 : vector<512x1000xi1>
      %or3A_112 = arith.ori %gt3A_108, %and3A_111 : vector<512x1000xi1>
      %and3A_113 = arith.andi %lt3A_35, %or3A_112 : vector<512x1000xi1>
      %convert_element_type3A_114 = arith.extui %and3A_113 : vector<512x1000xi1> to vector<512x1000xi32>
      %reduce_sum3A_115 = arith.constant dense<0> : vector<512xi32>
      %reduce_sum3A_116 = vector.multi_reduction <add>, %convert_element_type3A_114, %reduce_sum3A_115 [1] : vector<512x1000xi32> to vector<512xi32>
      %broadcast_in_dim3A_117 = vector.shape_cast %reduce_sum3A_116 : vector<512xi32> to vector<512x1xi32>
      %gt3A_118 = vector.broadcast %xor3A_97 : vector<512x1xi32> to vector<512x1000xi32>
      %gt3A_119 = arith.cmpi sgt, %xor3A_32, %gt3A_118 : vector<512x1000xi32>
      %eq3A_120 = vector.broadcast %xor3A_97 : vector<512x1xi32> to vector<512x1000xi32>
      %eq3A_121 = arith.cmpi eq, %xor3A_32, %eq3A_120 : vector<512x1000xi32>
      %lt3A_122 = vector.broadcast %get3A_41 : vector<512x1xi32> to vector<512x1000xi32>
      %lt3A_123 = arith.cmpi slt, %iota3A, %lt3A_122 : vector<512x1000xi32>
      %and3A_124 = arith.andi %eq3A_121, %lt3A_123 : vector<512x1000xi1>
      %or3A_125 = arith.ori %gt3A_119, %and3A_124 : vector<512x1000xi1>
      %and3A_126 = arith.andi %lt3A_35, %or3A_125 : vector<512x1000xi1>
      %convert_element_type3A_127 = arith.extui %and3A_126 : vector<512x1000xi1> to vector<512x1000xi32>
      %reduce_sum3A_128 = arith.constant dense<0> : vector<512xi32>
      %reduce_sum3A_129 = vector.multi_reduction <add>, %convert_element_type3A_127, %reduce_sum3A_128 [1] : vector<512x1000xi32> to vector<512xi32>
      %broadcast_in_dim3A_130 = vector.shape_cast %reduce_sum3A_129 : vector<512xi32> to vector<512x1xi32>
      %get3A_131 = arith.constant 0 : index
      %get3A_132 = arith.constant 0 : index
      %get3A_133 = vector.load %arg27[%get3A_131, %get3A_132] : memref<512x1xi32, #tpu.memory_space<vmem>>, vector<512x1xi32>
      %get3A_134 = arith.constant 0 : index
      %get3A_135 = arith.constant 0 : index
      %get3A_136 = vector.load %arg29[%get3A_134, %get3A_135] : memref<512x1xi32, #tpu.memory_space<vmem>>, vector<512x1xi32>
      %get3A_137 = arith.constant 0 : index
      %get3A_138 = arith.constant 0 : index
      %get3A_139 = vector.load %arg27[%get3A_137, %get3A_138] : memref<512x1xi32, #tpu.memory_space<vmem>>, vector<512x1xi32>
      %get3A_140 = arith.constant 0 : index
      %get3A_141 = arith.constant 0 : index
      %get3A_142 = vector.load %arg30[%get3A_140, %get3A_141] : memref<512x1xi32, #tpu.memory_space<vmem>>, vector<512x1xi32>
      %add3A_143 = arith.addi %get3A_139, %get3A_142 : vector<512x1xi32>
      %get3A_144 = arith.constant 0 : index
      %get3A_145 = arith.constant 0 : index
      %get3A_146 = vector.load %arg28[%get3A_144, %get3A_145] : memref<512x1xi32, #tpu.memory_space<vmem>>, vector<512x1xi32>
      %get3A_147 = arith.constant 0 : index
      %get3A_148 = arith.constant 0 : index
      %get3A_149 = vector.load %arg29[%get3A_147, %get3A_148] : memref<512x1xi32, #tpu.memory_space<vmem>>, vector<512x1xi32>
      %add3A_150 = arith.addi %get3A_146, %get3A_149 : vector<512x1xi32>
      %iota3A_151 = tpu.iota {dimensions = array<i32: 0>} : vector<512x1xi32>
      %jit3A = arith.constant 16 : i32
      %eq3A_152 = arith.constant 0 : i32
      %eq3A_153 = arith.cmpi eq, %jit3A, %eq3A_152 : i32
      %jit3A_154 = arith.constant 1 : i32
      %select_n3A = arith.select %eq3A_153, %jit3A_154, %jit3A : i32
      %rem3A = vector.broadcast %select_n3A : i32 to vector<512x1xi32>
      %rem3A_155 = arith.remsi %iota3A_151, %rem3A : vector<512x1xi32>
      %ne3A = arith.constant 0 : i32
      %ne3A_156 = vector.broadcast %ne3A : i32 to vector<512x1xi32>
      %ne3A_157 = arith.cmpi ne, %rem3A_155, %ne3A_156 : vector<512x1xi32>
      %lt3A_158 = arith.constant 0 : i32
      %lt3A_159 = vector.broadcast %lt3A_158 : i32 to vector<512x1xi32>
      %lt3A_160 = arith.cmpi slt, %rem3A_155, %lt3A_159 : vector<512x1xi32>
      %lt3A_161 = arith.constant 0 : i32
      %lt3A_162 = arith.cmpi slt, %select_n3A, %lt3A_161 : i32
      %ne3A_163 = vector.broadcast %lt3A_162 : i1 to vector<512x1xi1>
      %ne3A_164 = vector.broadcast %ne3A_163 : vector<512x1xi1> to vector<512x1xi1>
      %ne3A_165 = arith.xori %lt3A_160, %ne3A_164 : vector<512x1xi1>
      %and3A_166 = arith.andi %ne3A_165, %ne3A_157 : vector<512x1xi1>
      %add3A_167 = vector.broadcast %select_n3A : i32 to vector<512x1xi32>
      %add3A_168 = arith.addi %rem3A_155, %add3A_167 : vector<512x1xi32>
      %select_n3A_169 = arith.select %and3A_166, %add3A_168, %rem3A_155 : vector<512x1xi1>, vector<512x1xi32>
      %get3A_170 = arith.constant 0 : index
      %get3A_171 = arith.constant 0 : index
      %get3A_172 = vector.load %arg14[%get3A_170, %get3A_171] : memref<512x1xi32, #tpu.memory_space<vmem>>, vector<512x1xi32>
      %ge3A = arith.cmpi sge, %select_n3A_169, %get3A_172 : vector<512x1xi32>
      %ne3A_173 = arith.constant 0 : i32
      %ne3A_174 = vector.broadcast %ne3A_173 : i32 to vector<512x1xi32>
      %ne3A_175 = arith.cmpi ne, %get3A_38, %ne3A_174 : vector<512x1xi32>
      %and3A_176 = arith.andi %ge3A, %ne3A_175 : vector<512x1xi1>
      %ne3A_177 = arith.constant 1 : i32
      %ne3A_178 = vector.broadcast %ne3A_177 : i32 to vector<512x1xi32>
      %ne3A_179 = arith.cmpi ne, %get3A_38, %ne3A_178 : vector<512x1xi32>
      %and3A_180 = arith.andi %and3A_176, %ne3A_179 : vector<512x1xi1>
      %ne3A_181 = arith.constant 0 : i32
      %ne3A_182 = vector.broadcast %ne3A_181 : i32 to vector<512x1xi32>
      %ne3A_183 = arith.cmpi ne, %get3A_41, %ne3A_182 : vector<512x1xi32>
      %and3A_184 = arith.andi %ge3A, %ne3A_183 : vector<512x1xi1>
      %ne3A_185 = arith.constant 1 : i32
      %ne3A_186 = vector.broadcast %ne3A_185 : i32 to vector<512x1xi32>
      %ne3A_187 = arith.cmpi ne, %get3A_41, %ne3A_186 : vector<512x1xi32>
      %and3A_188 = arith.andi %and3A_184, %ne3A_187 : vector<512x1xi1>
      %ne3A_189 = arith.constant 0 : i32
      %ne3A_190 = vector.broadcast %ne3A_189 : i32 to vector<512x1xi32>
      %ne3A_191 = arith.cmpi ne, %get3A_44, %ne3A_190 : vector<512x1xi32>
      %and3A_192 = arith.andi %ge3A, %ne3A_191 : vector<512x1xi1>
      %ne3A_193 = arith.constant 1 : i32
      %ne3A_194 = vector.broadcast %ne3A_193 : i32 to vector<512x1xi32>
      %ne3A_195 = arith.cmpi ne, %get3A_44, %ne3A_194 : vector<512x1xi32>
      %and3A_196 = arith.andi %and3A_192, %ne3A_195 : vector<512x1xi1>
      %ne3A_197 = arith.constant 0 : i32
      %ne3A_198 = vector.broadcast %ne3A_197 : i32 to vector<512x1xi32>
      %ne3A_199 = arith.cmpi ne, %get3A_47, %ne3A_198 : vector<512x1xi32>
      %and3A_200 = arith.andi %ge3A, %ne3A_199 : vector<512x1xi1>
      %ne3A_201 = arith.constant 1 : i32
      %ne3A_202 = vector.broadcast %ne3A_201 : i32 to vector<512x1xi32>
      %ne3A_203 = arith.cmpi ne, %get3A_47, %ne3A_202 : vector<512x1xi32>
      %and3A_204 = arith.andi %and3A_200, %ne3A_203 : vector<512x1xi1>
      %ne3A_205 = arith.constant 2 : i32
      %ne3A_206 = vector.broadcast %ne3A_205 : i32 to vector<512x1xi32>
      %ne3A_207 = arith.cmpi ne, %get3A_38, %ne3A_206 : vector<512x1xi32>
      %and3A_208 = arith.andi %and3A_180, %ne3A_207 : vector<512x1xi1>
      %lt3A_209 = arith.constant 10 : i32
      %lt3A_210 = vector.broadcast %lt3A_209 : i32 to vector<512x1xi32>
      %lt3A_211 = arith.cmpi slt, %broadcast_in_dim3A, %lt3A_210 : vector<512x1xi32>
      %and3A_212 = arith.andi %and3A_208, %lt3A_211 : vector<512x1xi1>
      %convert_element_type3A_213 = arith.sitofp %broadcast_in_dim3A : vector<512x1xi32> to vector<512x1xf32>
      %add3A_214 = arith.constant 1.000000e+00 : f32
      %add3A_215 = vector.broadcast %add3A_214 : f32 to vector<512x1xf32>
      %add3A_216 = arith.addf %convert_element_type3A_213, %add3A_215 : vector<512x1xf32>
      %div3A = arith.constant 1.000000e+00 : f32
      %div3A_217 = vector.broadcast %div3A : f32 to vector<512x1xf32>
      %div3A_218 = arith.divf %div3A_217, %add3A_216 : vector<512x1xf32>
      %jit3A_219 = arith.constant 0.000000e+00 : f32
      %broadcast_in_dim3A_220 = vector.broadcast %jit3A_219 : f32 to vector<512x1xf32>
      %select_n3A_221 = arith.select %and3A_212, %div3A_218, %broadcast_in_dim3A_220 : vector<512x1xi1>, vector<512x1xf32>
      %reduce_sum3A_222 = vector.shape_cast %select_n3A_221 : vector<512x1xf32> to vector<1x512x1xf32>
      %reduce_sum3A_223 = arith.constant dense<0.000000e+00> : vector<1xf32>
      %reduce_sum3A_224 = vector.multi_reduction <add>, %reduce_sum3A_222, %reduce_sum3A_223 [1, 2] : vector<1x512x1xf32> to vector<1xf32>
      %reduce_sum3A_225 = vector.shape_cast %reduce_sum3A_224 : vector<1xf32> to vector<1x1x1xf32>
      %reduce_sum3A_226 = vector.extract %reduce_sum3A_225[0, 0, 0] : f32 from vector<1x1x1xf32>
      %reduce_or3A = arith.constant 1.000000e+00 : f32
      %reduce_or3A_227 = arith.constant 0.000000e+00 : f32
      %reduce_or3A_228 = vector.broadcast %reduce_or3A : f32 to vector<512x1xf32>
      %reduce_or3A_229 = vector.broadcast %reduce_or3A_227 : f32 to vector<512x1xf32>
      %reduce_or3A_230 = arith.select %and3A_212, %reduce_or3A_228, %reduce_or3A_229 : vector<512x1xi1>, vector<512x1xf32>
      %reduce_or3A_231 = vector.shape_cast %reduce_or3A_230 : vector<512x1xf32> to vector<1x512x1xf32>
      %reduce_or3A_232 = arith.constant dense<0xFF800000> : vector<1xf32>
      %reduce_or3A_233 = vector.multi_reduction <maximumf>, %reduce_or3A_231, %reduce_or3A_232 [1, 2] : vector<1x512x1xf32> to vector<1xf32>
      %reduce_or3A_234 = vector.shape_cast %reduce_or3A_233 : vector<1xf32> to vector<1x1x1xf32>
      %reduce_or3A_235 = vector.extract %reduce_or3A_234[0, 0, 0] : f32 from vector<1x1x1xf32>
      %reduce_or3A_236 = arith.constant 0.000000e+00 : f32
      %reduce_or3A_237 = arith.cmpf ogt, %reduce_or3A_235, %reduce_or3A_236 : f32
      %convert_element_type3A_238 = arith.extui %and3A_180 : vector<512x1xi1> to vector<512x1xi32>
      %reduce_sum3A_239 = vector.shape_cast %convert_element_type3A_238 : vector<512x1xi32> to vector<1x512x1xi32>
      %reduce_sum3A_240 = arith.constant dense<0> : vector<1xi32>
      %reduce_sum3A_241 = vector.multi_reduction <add>, %reduce_sum3A_239, %reduce_sum3A_240 [1, 2] : vector<1x512x1xi32> to vector<1xi32>
      %reduce_sum3A_242 = vector.shape_cast %reduce_sum3A_241 : vector<1xi32> to vector<1x1x1xi32>
      %reduce_sum3A_243 = vector.extract %reduce_sum3A_242[0, 0, 0] : i32 from vector<1x1x1xi32>
      %jit3A_244 = arith.constant 0 : i32
      %select_n3A_245 = arith.select %reduce_or3A_237, %reduce_sum3A_243, %jit3A_244 : i32
      %ne3A_246 = arith.constant 2 : i32
      %ne3A_247 = vector.broadcast %ne3A_246 : i32 to vector<512x1xi32>
      %ne3A_248 = arith.cmpi ne, %get3A_38, %ne3A_247 : vector<512x1xi32>
      %and3A_249 = arith.andi %and3A_180, %ne3A_248 : vector<512x1xi1>
      %lt3A_250 = arith.constant 10 : i32
      %lt3A_251 = vector.broadcast %lt3A_250 : i32 to vector<512x1xi32>
      %lt3A_252 = arith.cmpi slt, %broadcast_in_dim3A_117, %lt3A_251 : vector<512x1xi32>
      %and3A_253 = arith.andi %and3A_249, %lt3A_252 : vector<512x1xi1>
      %convert_element_type3A_254 = arith.sitofp %broadcast_in_dim3A_117 : vector<512x1xi32> to vector<512x1xf32>
      %add3A_255 = arith.constant 1.000000e+00 : f32
      %add3A_256 = vector.broadcast %add3A_255 : f32 to vector<512x1xf32>
      %add3A_257 = arith.addf %convert_element_type3A_254, %add3A_256 : vector<512x1xf32>
      %div3A_258 = arith.constant 1.000000e+00 : f32
      %div3A_259 = vector.broadcast %div3A_258 : f32 to vector<512x1xf32>
      %div3A_260 = arith.divf %div3A_259, %add3A_257 : vector<512x1xf32>
      %jit3A_261 = arith.constant 0.000000e+00 : f32
      %broadcast_in_dim3A_262 = vector.broadcast %jit3A_261 : f32 to vector<512x1xf32>
      %select_n3A_263 = arith.select %and3A_253, %div3A_260, %broadcast_in_dim3A_262 : vector<512x1xi1>, vector<512x1xf32>
      %reduce_sum3A_264 = vector.shape_cast %select_n3A_263 : vector<512x1xf32> to vector<1x512x1xf32>
      %reduce_sum3A_265 = arith.constant dense<0.000000e+00> : vector<1xf32>
      %reduce_sum3A_266 = vector.multi_reduction <add>, %reduce_sum3A_264, %reduce_sum3A_265 [1, 2] : vector<1x512x1xf32> to vector<1xf32>
      %reduce_sum3A_267 = vector.shape_cast %reduce_sum3A_266 : vector<1xf32> to vector<1x1x1xf32>
      %reduce_sum3A_268 = vector.extract %reduce_sum3A_267[0, 0, 0] : f32 from vector<1x1x1xf32>
      %reduce_or3A_269 = arith.constant 1.000000e+00 : f32
      %reduce_or3A_270 = arith.constant 0.000000e+00 : f32
      %reduce_or3A_271 = vector.broadcast %reduce_or3A_269 : f32 to vector<512x1xf32>
      %reduce_or3A_272 = vector.broadcast %reduce_or3A_270 : f32 to vector<512x1xf32>
      %reduce_or3A_273 = arith.select %and3A_253, %reduce_or3A_271, %reduce_or3A_272 : vector<512x1xi1>, vector<512x1xf32>
      %reduce_or3A_274 = vector.shape_cast %reduce_or3A_273 : vector<512x1xf32> to vector<1x512x1xf32>
      %reduce_or3A_275 = arith.constant dense<0xFF800000> : vector<1xf32>
      %reduce_or3A_276 = vector.multi_reduction <maximumf>, %reduce_or3A_274, %reduce_or3A_275 [1, 2] : vector<1x512x1xf32> to vector<1xf32>
      %reduce_or3A_277 = vector.shape_cast %reduce_or3A_276 : vector<1xf32> to vector<1x1x1xf32>
      %reduce_or3A_278 = vector.extract %reduce_or3A_277[0, 0, 0] : f32 from vector<1x1x1xf32>
      %reduce_or3A_279 = arith.constant 0.000000e+00 : f32
      %reduce_or3A_280 = arith.cmpf ogt, %reduce_or3A_278, %reduce_or3A_279 : f32
      %convert_element_type3A_281 = arith.extui %and3A_180 : vector<512x1xi1> to vector<512x1xi32>
      %reduce_sum3A_282 = vector.shape_cast %convert_element_type3A_281 : vector<512x1xi32> to vector<1x512x1xi32>
      %reduce_sum3A_283 = arith.constant dense<0> : vector<1xi32>
      %reduce_sum3A_284 = vector.multi_reduction <add>, %reduce_sum3A_282, %reduce_sum3A_283 [1, 2] : vector<1x512x1xi32> to vector<1xi32>
      %reduce_sum3A_285 = vector.shape_cast %reduce_sum3A_284 : vector<1xi32> to vector<1x1x1xi32>
      %reduce_sum3A_286 = vector.extract %reduce_sum3A_285[0, 0, 0] : i32 from vector<1x1x1xi32>
      %jit3A_287 = arith.constant 0 : i32
      %select_n3A_288 = arith.select %reduce_or3A_280, %reduce_sum3A_286, %jit3A_287 : i32
      %ne3A_289 = arith.constant 2 : i32
      %ne3A_290 = vector.broadcast %ne3A_289 : i32 to vector<512x1xi32>
      %ne3A_291 = arith.cmpi ne, %get3A_41, %ne3A_290 : vector<512x1xi32>
      %and3A_292 = arith.andi %and3A_188, %ne3A_291 : vector<512x1xi1>
      %lt3A_293 = arith.constant 10 : i32
      %lt3A_294 = vector.broadcast %lt3A_293 : i32 to vector<512x1xi32>
      %lt3A_295 = arith.cmpi slt, %broadcast_in_dim3A_130, %lt3A_294 : vector<512x1xi32>
      %and3A_296 = arith.andi %and3A_292, %lt3A_295 : vector<512x1xi1>
      %convert_element_type3A_297 = arith.sitofp %broadcast_in_dim3A_130 : vector<512x1xi32> to vector<512x1xf32>
      %add3A_298 = arith.constant 1.000000e+00 : f32
      %add3A_299 = vector.broadcast %add3A_298 : f32 to vector<512x1xf32>
      %add3A_300 = arith.addf %convert_element_type3A_297, %add3A_299 : vector<512x1xf32>
      %div3A_301 = arith.constant 1.000000e+00 : f32
      %div3A_302 = vector.broadcast %div3A_301 : f32 to vector<512x1xf32>
      %div3A_303 = arith.divf %div3A_302, %add3A_300 : vector<512x1xf32>
      %jit3A_304 = arith.constant 0.000000e+00 : f32
      %broadcast_in_dim3A_305 = vector.broadcast %jit3A_304 : f32 to vector<512x1xf32>
      %select_n3A_306 = arith.select %and3A_296, %div3A_303, %broadcast_in_dim3A_305 : vector<512x1xi1>, vector<512x1xf32>
      %reduce_sum3A_307 = vector.shape_cast %select_n3A_306 : vector<512x1xf32> to vector<1x512x1xf32>
      %reduce_sum3A_308 = arith.constant dense<0.000000e+00> : vector<1xf32>
      %reduce_sum3A_309 = vector.multi_reduction <add>, %reduce_sum3A_307, %reduce_sum3A_308 [1, 2] : vector<1x512x1xf32> to vector<1xf32>
      %reduce_sum3A_310 = vector.shape_cast %reduce_sum3A_309 : vector<1xf32> to vector<1x1x1xf32>
      %reduce_sum3A_311 = vector.extract %reduce_sum3A_310[0, 0, 0] : f32 from vector<1x1x1xf32>
      %reduce_or3A_312 = arith.constant 1.000000e+00 : f32
      %reduce_or3A_313 = arith.constant 0.000000e+00 : f32
      %reduce_or3A_314 = vector.broadcast %reduce_or3A_312 : f32 to vector<512x1xf32>
      %reduce_or3A_315 = vector.broadcast %reduce_or3A_313 : f32 to vector<512x1xf32>
      %reduce_or3A_316 = arith.select %and3A_296, %reduce_or3A_314, %reduce_or3A_315 : vector<512x1xi1>, vector<512x1xf32>
      %reduce_or3A_317 = vector.shape_cast %reduce_or3A_316 : vector<512x1xf32> to vector<1x512x1xf32>
      %reduce_or3A_318 = arith.constant dense<0xFF800000> : vector<1xf32>
      %reduce_or3A_319 = vector.multi_reduction <maximumf>, %reduce_or3A_317, %reduce_or3A_318 [1, 2] : vector<1x512x1xf32> to vector<1xf32>
      %reduce_or3A_320 = vector.shape_cast %reduce_or3A_319 : vector<1xf32> to vector<1x1x1xf32>
      %reduce_or3A_321 = vector.extract %reduce_or3A_320[0, 0, 0] : f32 from vector<1x1x1xf32>
      %reduce_or3A_322 = arith.constant 0.000000e+00 : f32
      %reduce_or3A_323 = arith.cmpf ogt, %reduce_or3A_321, %reduce_or3A_322 : f32
      %convert_element_type3A_324 = arith.extui %and3A_188 : vector<512x1xi1> to vector<512x1xi32>
      %reduce_sum3A_325 = vector.shape_cast %convert_element_type3A_324 : vector<512x1xi32> to vector<1x512x1xi32>
      %reduce_sum3A_326 = arith.constant dense<0> : vector<1xi32>
      %reduce_sum3A_327 = vector.multi_reduction <add>, %reduce_sum3A_325, %reduce_sum3A_326 [1, 2] : vector<1x512x1xi32> to vector<1xi32>
      %reduce_sum3A_328 = vector.shape_cast %reduce_sum3A_327 : vector<1xi32> to vector<1x1x1xi32>
      %reduce_sum3A_329 = vector.extract %reduce_sum3A_328[0, 0, 0] : i32 from vector<1x1x1xi32>
      %jit3A_330 = arith.constant 0 : i32
      %select_n3A_331 = arith.select %reduce_or3A_323, %reduce_sum3A_329, %jit3A_330 : i32
      %ne3A_332 = arith.constant 2 : i32
      %ne3A_333 = vector.broadcast %ne3A_332 : i32 to vector<512x1xi32>
      %ne3A_334 = arith.cmpi ne, %get3A_44, %ne3A_333 : vector<512x1xi32>
      %and3A_335 = arith.andi %and3A_196, %ne3A_334 : vector<512x1xi1>
      %lt3A_336 = arith.constant 10 : i32
      %lt3A_337 = vector.broadcast %lt3A_336 : i32 to vector<512x1xi32>
      %lt3A_338 = arith.cmpi slt, %get3A_133, %lt3A_337 : vector<512x1xi32>
      %and3A_339 = arith.andi %and3A_335, %lt3A_338 : vector<512x1xi1>
      %convert_element_type3A_340 = arith.sitofp %get3A_133 : vector<512x1xi32> to vector<512x1xf32>
      %add3A_341 = arith.constant 1.000000e+00 : f32
      %add3A_342 = vector.broadcast %add3A_341 : f32 to vector<512x1xf32>
      %add3A_343 = arith.addf %convert_element_type3A_340, %add3A_342 : vector<512x1xf32>
      %div3A_344 = arith.constant 1.000000e+00 : f32
      %div3A_345 = vector.broadcast %div3A_344 : f32 to vector<512x1xf32>
      %div3A_346 = arith.divf %div3A_345, %add3A_343 : vector<512x1xf32>
      %jit3A_347 = arith.constant 0.000000e+00 : f32
      %broadcast_in_dim3A_348 = vector.broadcast %jit3A_347 : f32 to vector<512x1xf32>
      %select_n3A_349 = arith.select %and3A_339, %div3A_346, %broadcast_in_dim3A_348 : vector<512x1xi1>, vector<512x1xf32>
      %reduce_sum3A_350 = vector.shape_cast %select_n3A_349 : vector<512x1xf32> to vector<1x512x1xf32>
      %reduce_sum3A_351 = arith.constant dense<0.000000e+00> : vector<1xf32>
      %reduce_sum3A_352 = vector.multi_reduction <add>, %reduce_sum3A_350, %reduce_sum3A_351 [1, 2] : vector<1x512x1xf32> to vector<1xf32>
      %reduce_sum3A_353 = vector.shape_cast %reduce_sum3A_352 : vector<1xf32> to vector<1x1x1xf32>
      %reduce_sum3A_354 = vector.extract %reduce_sum3A_353[0, 0, 0] : f32 from vector<1x1x1xf32>
      %reduce_or3A_355 = arith.constant 1.000000e+00 : f32
      %reduce_or3A_356 = arith.constant 0.000000e+00 : f32
      %reduce_or3A_357 = vector.broadcast %reduce_or3A_355 : f32 to vector<512x1xf32>
      %reduce_or3A_358 = vector.broadcast %reduce_or3A_356 : f32 to vector<512x1xf32>
      %reduce_or3A_359 = arith.select %and3A_339, %reduce_or3A_357, %reduce_or3A_358 : vector<512x1xi1>, vector<512x1xf32>
      %reduce_or3A_360 = vector.shape_cast %reduce_or3A_359 : vector<512x1xf32> to vector<1x512x1xf32>
      %reduce_or3A_361 = arith.constant dense<0xFF800000> : vector<1xf32>
      %reduce_or3A_362 = vector.multi_reduction <maximumf>, %reduce_or3A_360, %reduce_or3A_361 [1, 2] : vector<1x512x1xf32> to vector<1xf32>
      %reduce_or3A_363 = vector.shape_cast %reduce_or3A_362 : vector<1xf32> to vector<1x1x1xf32>
      %reduce_or3A_364 = vector.extract %reduce_or3A_363[0, 0, 0] : f32 from vector<1x1x1xf32>
      %reduce_or3A_365 = arith.constant 0.000000e+00 : f32
      %reduce_or3A_366 = arith.cmpf ogt, %reduce_or3A_364, %reduce_or3A_365 : f32
      %convert_element_type3A_367 = arith.extui %and3A_196 : vector<512x1xi1> to vector<512x1xi32>
      %reduce_sum3A_368 = vector.shape_cast %convert_element_type3A_367 : vector<512x1xi32> to vector<1x512x1xi32>
      %reduce_sum3A_369 = arith.constant dense<0> : vector<1xi32>
      %reduce_sum3A_370 = vector.multi_reduction <add>, %reduce_sum3A_368, %reduce_sum3A_369 [1, 2] : vector<1x512x1xi32> to vector<1xi32>
      %reduce_sum3A_371 = vector.shape_cast %reduce_sum3A_370 : vector<1xi32> to vector<1x1x1xi32>
      %reduce_sum3A_372 = vector.extract %reduce_sum3A_371[0, 0, 0] : i32 from vector<1x1x1xi32>
      %jit3A_373 = arith.constant 0 : i32
      %select_n3A_374 = arith.select %reduce_or3A_366, %reduce_sum3A_372, %jit3A_373 : i32
      %ne3A_375 = arith.constant 2 : i32
      %ne3A_376 = vector.broadcast %ne3A_375 : i32 to vector<512x1xi32>
      %ne3A_377 = arith.cmpi ne, %get3A_47, %ne3A_376 : vector<512x1xi32>
      %and3A_378 = arith.andi %and3A_204, %ne3A_377 : vector<512x1xi1>
      %lt3A_379 = arith.constant 10 : i32
      %lt3A_380 = vector.broadcast %lt3A_379 : i32 to vector<512x1xi32>
      %lt3A_381 = arith.cmpi slt, %get3A_136, %lt3A_380 : vector<512x1xi32>
      %and3A_382 = arith.andi %and3A_378, %lt3A_381 : vector<512x1xi1>
      %convert_element_type3A_383 = arith.sitofp %get3A_136 : vector<512x1xi32> to vector<512x1xf32>
      %add3A_384 = arith.constant 1.000000e+00 : f32
      %add3A_385 = vector.broadcast %add3A_384 : f32 to vector<512x1xf32>
      %add3A_386 = arith.addf %convert_element_type3A_383, %add3A_385 : vector<512x1xf32>
      %div3A_387 = arith.constant 1.000000e+00 : f32
      %div3A_388 = vector.broadcast %div3A_387 : f32 to vector<512x1xf32>
      %div3A_389 = arith.divf %div3A_388, %add3A_386 : vector<512x1xf32>
      %jit3A_390 = arith.constant 0.000000e+00 : f32
      %broadcast_in_dim3A_391 = vector.broadcast %jit3A_390 : f32 to vector<512x1xf32>
      %select_n3A_392 = arith.select %and3A_382, %div3A_389, %broadcast_in_dim3A_391 : vector<512x1xi1>, vector<512x1xf32>
      %reduce_sum3A_393 = vector.shape_cast %select_n3A_392 : vector<512x1xf32> to vector<1x512x1xf32>
      %reduce_sum3A_394 = arith.constant dense<0.000000e+00> : vector<1xf32>
      %reduce_sum3A_395 = vector.multi_reduction <add>, %reduce_sum3A_393, %reduce_sum3A_394 [1, 2] : vector<1x512x1xf32> to vector<1xf32>
      %reduce_sum3A_396 = vector.shape_cast %reduce_sum3A_395 : vector<1xf32> to vector<1x1x1xf32>
      %reduce_sum3A_397 = vector.extract %reduce_sum3A_396[0, 0, 0] : f32 from vector<1x1x1xf32>
      %reduce_or3A_398 = arith.constant 1.000000e+00 : f32
      %reduce_or3A_399 = arith.constant 0.000000e+00 : f32
      %reduce_or3A_400 = vector.broadcast %reduce_or3A_398 : f32 to vector<512x1xf32>
      %reduce_or3A_401 = vector.broadcast %reduce_or3A_399 : f32 to vector<512x1xf32>
      %reduce_or3A_402 = arith.select %and3A_382, %reduce_or3A_400, %reduce_or3A_401 : vector<512x1xi1>, vector<512x1xf32>
      %reduce_or3A_403 = vector.shape_cast %reduce_or3A_402 : vector<512x1xf32> to vector<1x512x1xf32>
      %reduce_or3A_404 = arith.constant dense<0xFF800000> : vector<1xf32>
      %reduce_or3A_405 = vector.multi_reduction <maximumf>, %reduce_or3A_403, %reduce_or3A_404 [1, 2] : vector<1x512x1xf32> to vector<1xf32>
      %reduce_or3A_406 = vector.shape_cast %reduce_or3A_405 : vector<1xf32> to vector<1x1x1xf32>
      %reduce_or3A_407 = vector.extract %reduce_or3A_406[0, 0, 0] : f32 from vector<1x1x1xf32>
      %reduce_or3A_408 = arith.constant 0.000000e+00 : f32
      %reduce_or3A_409 = arith.cmpf ogt, %reduce_or3A_407, %reduce_or3A_408 : f32
      %convert_element_type3A_410 = arith.extui %and3A_204 : vector<512x1xi1> to vector<512x1xi32>
      %reduce_sum3A_411 = vector.shape_cast %convert_element_type3A_410 : vector<512x1xi32> to vector<1x512x1xi32>
      %reduce_sum3A_412 = arith.constant dense<0> : vector<1xi32>
      %reduce_sum3A_413 = vector.multi_reduction <add>, %reduce_sum3A_411, %reduce_sum3A_412 [1, 2] : vector<1x512x1xi32> to vector<1xi32>
      %reduce_sum3A_414 = vector.shape_cast %reduce_sum3A_413 : vector<1xi32> to vector<1x1x1xi32>
      %reduce_sum3A_415 = vector.extract %reduce_sum3A_414[0, 0, 0] : i32 from vector<1x1x1xi32>
      %jit3A_416 = arith.constant 0 : i32
      %select_n3A_417 = arith.select %reduce_or3A_409, %reduce_sum3A_415, %jit3A_416 : i32
      %ne3A_418 = arith.constant 2 : i32
      %ne3A_419 = vector.broadcast %ne3A_418 : i32 to vector<512x1xi32>
      %ne3A_420 = arith.cmpi ne, %get3A_44, %ne3A_419 : vector<512x1xi32>
      %and3A_421 = arith.andi %and3A_196, %ne3A_420 : vector<512x1xi1>
      %lt3A_422 = arith.constant 10 : i32
      %lt3A_423 = vector.broadcast %lt3A_422 : i32 to vector<512x1xi32>
      %lt3A_424 = arith.cmpi slt, %add3A_143, %lt3A_423 : vector<512x1xi32>
      %and3A_425 = arith.andi %and3A_421, %lt3A_424 : vector<512x1xi1>
      %lt3A_426 = arith.constant 10 : i32
      %lt3A_427 = vector.broadcast %lt3A_426 : i32 to vector<512x1xi32>
      %lt3A_428 = arith.cmpi slt, %add3A_150, %lt3A_427 : vector<512x1xi32>
      %and3A_429 = arith.andi %and3A_196, %lt3A_428 : vector<512x1xi1>
      %jit3A_430 = arith.constant 1000000000 : i32
      %broadcast_in_dim3A_431 = vector.broadcast %jit3A_430 : i32 to vector<512x1xi32>
      %select_n3A_432 = arith.select %and3A_425, %add3A_143, %broadcast_in_dim3A_431 : vector<512x1xi1>, vector<512x1xi32>
      %jit3A_433 = arith.constant 1000000000 : i32
      %broadcast_in_dim3A_434 = vector.broadcast %jit3A_433 : i32 to vector<512x1xi32>
      %select_n3A_435 = arith.select %and3A_429, %add3A_150, %broadcast_in_dim3A_434 : vector<512x1xi1>, vector<512x1xi32>
      %min3A = arith.minsi %select_n3A_432, %select_n3A_435 : vector<512x1xi32>
      %lt3A_436 = arith.constant 1000000000 : i32
      %lt3A_437 = vector.broadcast %lt3A_436 : i32 to vector<512x1xi32>
      %lt3A_438 = arith.cmpi slt, %min3A, %lt3A_437 : vector<512x1xi32>
      %convert_element_type3A_439 = arith.sitofp %min3A : vector<512x1xi32> to vector<512x1xf32>
      %add3A_440 = arith.constant 1.000000e+00 : f32
      %add3A_441 = vector.broadcast %add3A_440 : f32 to vector<512x1xf32>
      %add3A_442 = arith.addf %convert_element_type3A_439, %add3A_441 : vector<512x1xf32>
      %div3A_443 = arith.constant 1.000000e+00 : f32
      %div3A_444 = vector.broadcast %div3A_443 : f32 to vector<512x1xf32>
      %div3A_445 = arith.divf %div3A_444, %add3A_442 : vector<512x1xf32>
      %jit3A_446 = arith.constant 0.000000e+00 : f32
      %broadcast_in_dim3A_447 = vector.broadcast %jit3A_446 : f32 to vector<512x1xf32>
      %select_n3A_448 = arith.select %lt3A_438, %div3A_445, %broadcast_in_dim3A_447 : vector<512x1xi1>, vector<512x1xf32>
      %reduce_sum3A_449 = vector.shape_cast %select_n3A_448 : vector<512x1xf32> to vector<1x512x1xf32>
      %reduce_sum3A_450 = arith.constant dense<0.000000e+00> : vector<1xf32>
      %reduce_sum3A_451 = vector.multi_reduction <add>, %reduce_sum3A_449, %reduce_sum3A_450 [1, 2] : vector<1x512x1xf32> to vector<1xf32>
      %reduce_sum3A_452 = vector.shape_cast %reduce_sum3A_451 : vector<1xf32> to vector<1x1x1xf32>
      %reduce_sum3A_453 = vector.extract %reduce_sum3A_452[0, 0, 0] : f32 from vector<1x1x1xf32>
      %reduce_or3A_454 = arith.constant 1.000000e+00 : f32
      %reduce_or3A_455 = arith.constant 0.000000e+00 : f32
      %reduce_or3A_456 = vector.broadcast %reduce_or3A_454 : f32 to vector<512x1xf32>
      %reduce_or3A_457 = vector.broadcast %reduce_or3A_455 : f32 to vector<512x1xf32>
      %reduce_or3A_458 = arith.select %lt3A_438, %reduce_or3A_456, %reduce_or3A_457 : vector<512x1xi1>, vector<512x1xf32>
      %reduce_or3A_459 = vector.shape_cast %reduce_or3A_458 : vector<512x1xf32> to vector<1x512x1xf32>
      %reduce_or3A_460 = arith.constant dense<0xFF800000> : vector<1xf32>
      %reduce_or3A_461 = vector.multi_reduction <maximumf>, %reduce_or3A_459, %reduce_or3A_460 [1, 2] : vector<1x512x1xf32> to vector<1xf32>
      %reduce_or3A_462 = vector.shape_cast %reduce_or3A_461 : vector<1xf32> to vector<1x1x1xf32>
      %reduce_or3A_463 = vector.extract %reduce_or3A_462[0, 0, 0] : f32 from vector<1x1x1xf32>
      %reduce_or3A_464 = arith.constant 0.000000e+00 : f32
      %reduce_or3A_465 = arith.cmpf ogt, %reduce_or3A_463, %reduce_or3A_464 : f32
      %convert_element_type3A_466 = arith.extui %and3A_196 : vector<512x1xi1> to vector<512x1xi32>
      %reduce_sum3A_467 = vector.shape_cast %convert_element_type3A_466 : vector<512x1xi32> to vector<1x512x1xi32>
      %reduce_sum3A_468 = arith.constant dense<0> : vector<1xi32>
      %reduce_sum3A_469 = vector.multi_reduction <add>, %reduce_sum3A_467, %reduce_sum3A_468 [1, 2] : vector<1x512x1xi32> to vector<1xi32>
      %reduce_sum3A_470 = vector.shape_cast %reduce_sum3A_469 : vector<1xi32> to vector<1x1x1xi32>
      %reduce_sum3A_471 = vector.extract %reduce_sum3A_470[0, 0, 0] : i32 from vector<1x1x1xi32>
      %jit3A_472 = arith.constant 0 : i32
      %select_n3A_473 = arith.select %reduce_or3A_465, %reduce_sum3A_471, %jit3A_472 : i32
      %swap3A = arith.constant 0 : index
      %swap3A_474 = arith.constant 0 : index
      %swap3A_475 = memref.load %arg15[%swap3A, %swap3A_474] : memref<1x1xf32, #tpu.memory_space<smem>>
      memref.store %reduce_sum3A_226, %arg15[%swap3A, %swap3A_474] : memref<1x1xf32, #tpu.memory_space<smem>>
      %swap3A_476 = arith.constant 0 : index
      %swap3A_477 = arith.constant 0 : index
      %swap3A_478 = memref.load %arg16[%swap3A_476, %swap3A_477] : memref<1x1xi32, #tpu.memory_space<smem>>
      memref.store %select_n3A_245, %arg16[%swap3A_476, %swap3A_477] : memref<1x1xi32, #tpu.memory_space<smem>>
      %swap3A_479 = arith.constant 0 : index
      %swap3A_480 = arith.constant 0 : index
      %swap3A_481 = memref.load %arg17[%swap3A_479, %swap3A_480] : memref<1x1xf32, #tpu.memory_space<smem>>
      memref.store %reduce_sum3A_453, %arg17[%swap3A_479, %swap3A_480] : memref<1x1xf32, #tpu.memory_space<smem>>
      %swap3A_482 = arith.constant 0 : index
      %swap3A_483 = arith.constant 0 : index
      %swap3A_484 = memref.load %arg18[%swap3A_482, %swap3A_483] : memref<1x1xi32, #tpu.memory_space<smem>>
      memref.store %select_n3A_473, %arg18[%swap3A_482, %swap3A_483] : memref<1x1xi32, #tpu.memory_space<smem>>
      %swap3A_485 = arith.constant 0 : index
      %swap3A_486 = arith.constant 0 : index
      %swap3A_487 = memref.load %arg19[%swap3A_485, %swap3A_486] : memref<1x1xf32, #tpu.memory_space<smem>>
      memref.store %reduce_sum3A_268, %arg19[%swap3A_485, %swap3A_486] : memref<1x1xf32, #tpu.memory_space<smem>>
      %swap3A_488 = arith.constant 0 : index
      %swap3A_489 = arith.constant 0 : index
      %swap3A_490 = memref.load %arg20[%swap3A_488, %swap3A_489] : memref<1x1xi32, #tpu.memory_space<smem>>
      memref.store %select_n3A_288, %arg20[%swap3A_488, %swap3A_489] : memref<1x1xi32, #tpu.memory_space<smem>>
      %swap3A_491 = arith.constant 0 : index
      %swap3A_492 = arith.constant 0 : index
      %swap3A_493 = memref.load %arg21[%swap3A_491, %swap3A_492] : memref<1x1xf32, #tpu.memory_space<smem>>
      memref.store %reduce_sum3A_311, %arg21[%swap3A_491, %swap3A_492] : memref<1x1xf32, #tpu.memory_space<smem>>
      %swap3A_494 = arith.constant 0 : index
      %swap3A_495 = arith.constant 0 : index
      %swap3A_496 = memref.load %arg22[%swap3A_494, %swap3A_495] : memref<1x1xi32, #tpu.memory_space<smem>>
      memref.store %select_n3A_331, %arg22[%swap3A_494, %swap3A_495] : memref<1x1xi32, #tpu.memory_space<smem>>
      %swap3A_497 = arith.constant 0 : index
      %swap3A_498 = arith.constant 0 : index
      %swap3A_499 = memref.load %arg23[%swap3A_497, %swap3A_498] : memref<1x1xf32, #tpu.memory_space<smem>>
      memref.store %reduce_sum3A_354, %arg23[%swap3A_497, %swap3A_498] : memref<1x1xf32, #tpu.memory_space<smem>>
      %swap3A_500 = arith.constant 0 : index
      %swap3A_501 = arith.constant 0 : index
      %swap3A_502 = memref.load %arg24[%swap3A_500, %swap3A_501] : memref<1x1xi32, #tpu.memory_space<smem>>
      memref.store %select_n3A_374, %arg24[%swap3A_500, %swap3A_501] : memref<1x1xi32, #tpu.memory_space<smem>>
      %swap3A_503 = arith.constant 0 : index
      %swap3A_504 = arith.constant 0 : index
      %swap3A_505 = memref.load %arg25[%swap3A_503, %swap3A_504] : memref<1x1xf32, #tpu.memory_space<smem>>
      memref.store %reduce_sum3A_397, %arg25[%swap3A_503, %swap3A_504] : memref<1x1xf32, #tpu.memory_space<smem>>
      %swap3A_506 = arith.constant 0 : index
      %swap3A_507 = arith.constant 0 : index
      %swap3A_508 = memref.load %arg26[%swap3A_506, %swap3A_507] : memref<1x1xi32, #tpu.memory_space<smem>>
      memref.store %select_n3A_417, %arg26[%swap3A_506, %swap3A_507] : memref<1x1xi32, #tpu.memory_space<smem>>
    } else {
    }
    return
  }
  func.func @transform_0(%arg0: i32) -> (i32, i32) {
    %c0_i32 = arith.constant 0 : i32
    %c0_i32_0 = arith.constant 0 : i32
    return %c0_i32, %arg0 : i32, i32
  }
  func.func @transform_1(%arg0: i32) -> (i32, i32) {
    %c0_i32 = arith.constant 0 : i32
    %c0_i32_0 = arith.constant 0 : i32
    return %c0_i32, %arg0 : i32, i32
  }
  func.func @transform_2(%arg0: i32) -> (i32, i32) {
    %c0_i32 = arith.constant 0 : i32
    %c0_i32_0 = arith.constant 0 : i32
    %c0_i32_1 = arith.constant 0 : i32
    return %c0_i32, %c0_i32_0 : i32, i32
  }
  func.func @transform_3(%arg0: i32) -> (i32, i32) {
    %c0_i32 = arith.constant 0 : i32
    %c0_i32_0 = arith.constant 0 : i32
    %c0_i32_1 = arith.constant 0 : i32
    return %c0_i32, %c0_i32_0 : i32, i32
  }
  func.func @transform_4(%arg0: i32) -> (i32, i32) {
    %c0_i32 = arith.constant 0 : i32
    %c0_i32_0 = arith.constant 0 : i32
    %c0_i32_1 = arith.constant 0 : i32
    return %c0_i32, %c0_i32_0 : i32, i32
  }
  func.func @transform_5(%arg0: i32) -> (i32, i32) {
    %c0_i32 = arith.constant 0 : i32
    %c0_i32_0 = arith.constant 0 : i32
    %c0_i32_1 = arith.constant 0 : i32
    return %c0_i32, %c0_i32_0 : i32, i32
  }
  func.func @transform_6(%arg0: i32) -> (i32, i32) {
    %c0_i32 = arith.constant 0 : i32
    %c0_i32_0 = arith.constant 0 : i32
    %c0_i32_1 = arith.constant 0 : i32
    return %c0_i32, %c0_i32_0 : i32, i32
  }
  func.func @transform_7(%arg0: i32) -> (i32, i32) {
    %c0_i32 = arith.constant 0 : i32
    %c0_i32_0 = arith.constant 0 : i32
    %c0_i32_1 = arith.constant 0 : i32
    return %c0_i32, %c0_i32_0 : i32, i32
  }
  func.func @transform_8(%arg0: i32) -> (i32, i32) {
    %c0_i32 = arith.constant 0 : i32
    %c0_i32_0 = arith.constant 0 : i32
    %c0_i32_1 = arith.constant 0 : i32
    return %c0_i32, %c0_i32_0 : i32, i32
  }
  func.func @transform_9(%arg0: i32) -> (i32, i32) {
    %c0_i32 = arith.constant 0 : i32
    %c0_i32_0 = arith.constant 0 : i32
    %c0_i32_1 = arith.constant 0 : i32
    return %c0_i32, %c0_i32_0 : i32, i32
  }
  func.func @transform_10(%arg0: i32) -> (i32, i32) {
    %c0_i32 = arith.constant 0 : i32
    %c0_i32_0 = arith.constant 0 : i32
    %c0_i32_1 = arith.constant 0 : i32
    return %c0_i32, %c0_i32_0 : i32, i32
  }
  func.func @transform_11(%arg0: i32) -> (i32, i32) {
    %c0_i32 = arith.constant 0 : i32
    %c0_i32_0 = arith.constant 0 : i32
    %c0_i32_1 = arith.constant 0 : i32
    return %c0_i32, %c0_i32_0 : i32, i32
  }
  func.func @transform_12(%arg0: i32) -> (i32, i32) {
    %c0_i32 = arith.constant 0 : i32
    %c0_i32_0 = arith.constant 0 : i32
    %c0_i32_1 = arith.constant 0 : i32
    return %c0_i32, %c0_i32_0 : i32, i32
  }
  func.func @transform_13(%arg0: i32) -> (i32, i32) {
    %c0_i32 = arith.constant 0 : i32
    %c0_i32_0 = arith.constant 0 : i32
    %c0_i32_1 = arith.constant 0 : i32
    return %c0_i32, %c0_i32_0 : i32, i32
  }
  func.func @transform_14(%arg0: i32) -> (i32, i32) {
    %c0_i32 = arith.constant 0 : i32
    %c0_i32_0 = arith.constant 0 : i32
    %c0_i32_1 = arith.constant 0 : i32
    return %c0_i32, %c0_i32_0 : i32, i32
  }
  func.func @transform_15(%arg0: i32) -> (i32, i32) {
    %c0_i32 = arith.constant 0 : i32
    %c0_i32_0 = arith.constant 0 : i32
    %c0_i32_1 = arith.constant 0 : i32
    return %c0_i32, %c0_i32_0 : i32, i32
  }
  func.func @transform_16(%arg0: i32) -> (i32, i32) {
    %c0_i32 = arith.constant 0 : i32
    %c0_i32_0 = arith.constant 0 : i32
    %c0_i32_1 = arith.constant 0 : i32
    return %c0_i32, %c0_i32_0 : i32, i32
  }
  func.func @transform_17(%arg0: i32) -> (i32, i32) {
    %c0_i32 = arith.constant 0 : i32
    %c0_i32_0 = arith.constant 0 : i32
    %c0_i32_1 = arith.constant 0 : i32
    return %c0_i32, %c0_i32_0 : i32, i32
  }
  func.func @transform_18(%arg0: i32) -> (i32, i32) {
    %c0_i32 = arith.constant 0 : i32
    %c0_i32_0 = arith.constant 0 : i32
    %c0_i32_1 = arith.constant 0 : i32
    return %c0_i32, %c0_i32_0 : i32, i32
  }
  func.func @transform_19(%arg0: i32) -> (i32, i32) {
    %c0_i32 = arith.constant 0 : i32
    %c0_i32_0 = arith.constant 0 : i32
    %c0_i32_1 = arith.constant 0 : i32
    return %c0_i32, %c0_i32_0 : i32, i32
  }
  func.func @transform_20(%arg0: i32) -> (i32, i32) {
    %c0_i32 = arith.constant 0 : i32
    %c0_i32_0 = arith.constant 0 : i32
    %c0_i32_1 = arith.constant 0 : i32
    return %c0_i32, %c0_i32_0 : i32, i32
  }
  func.func @transform_21(%arg0: i32) -> (i32, i32) {
    %c0_i32 = arith.constant 0 : i32
    %c0_i32_0 = arith.constant 0 : i32
    %c0_i32_1 = arith.constant 0 : i32
    return %c0_i32, %c0_i32_0 : i32, i32
  }
  func.func @transform_22(%arg0: i32) -> (i32, i32) {
    %c0_i32 = arith.constant 0 : i32
    %c0_i32_0 = arith.constant 0 : i32
    %c0_i32_1 = arith.constant 0 : i32
    return %c0_i32, %c0_i32_0 : i32, i32
  }
  func.func @transform_23(%arg0: i32) -> (i32, i32) {
    %c0_i32 = arith.constant 0 : i32
    %c0_i32_0 = arith.constant 0 : i32
    %c0_i32_1 = arith.constant 0 : i32
    return %c0_i32, %c0_i32_0 : i32, i32
  }
  func.func @transform_24(%arg0: i32) -> (i32, i32) {
    %c0_i32 = arith.constant 0 : i32
    %c0_i32_0 = arith.constant 0 : i32
    %c0_i32_1 = arith.constant 0 : i32
    return %c0_i32, %c0_i32_0 : i32, i32
  }
  func.func @transform_25(%arg0: i32) -> (i32, i32) {
    %c0_i32 = arith.constant 0 : i32
    %c0_i32_0 = arith.constant 0 : i32
    %c0_i32_1 = arith.constant 0 : i32
    return %c0_i32, %c0_i32_0 : i32, i32
  }
}

</mosaic_0001>

<sc_bundles>
// kernel: kernel.5.cloned.1.call-start
scs
__scs_entry_jumppad:
0x0: {  	(pc) =	sbr.rel $0x88, $3  }
0x1: {  	(tag) =	ssettag $0x0;
	lr =	simm.s32 $0x1  }
0x2: {  	[smem:$0x3F98] =	sst lr;
	_ =	strace $0xD0000000  }
0x3: {  	_ = 	snop  }
0x4: {  	_ = 	snop  }
0x5: {  	_ = 	snop  }
0x6: {  	_ = 	snop  }
0x7: {  	_ = 	snop  }
__scs_overlays_trampoline_lowered:
0x8: {  	[smem:$0x3FA7] =	sst s0  }
0x9: {  	[smem:$0x3FA8] =	sst s1  }
0xa: {  	[smem:$0x3FA9] =	sst s2  }
0xb: {  	[smem:$0x3FAA] =	sst s3  }
0xc: {  	[smem:$0x3FAB] =	sst s4  }
0xd: {  	[smem:$0x3FAC] =	sst s5  }
0xe: {  	[smem:$0x3FAD] =	sst s6  }
0xf: {  	[smem:$0x3FAE] =	sst s7  }
0x10: {  	[smem:$0x3FAF] =	sst s8  }
0x11: {  	[smem:$0x3FB0] =	sst s9;
	s0 =	simm.s32 @!p0 $0x0  }
0x12: {  	s1 =	sld [smem:$0x3F96];
	s0 =	simm.s32 @p0 $0x1  }
0x13: {  	[smem:$0x3FB1] =	sst s0;
	s0 =	simm.s32 @!p1 $0x0  }
0x14: {  	s2 =	sld [smem:$0x3F95];
	s0 =	simm.s32 @p1 $0x1  }
0x15: {  	[smem:$0x3FB2] =	sst s0;
	s0 =	simm.s32 @!p2 $0x0  }
0x16: {  	s3 =	sld [smem:$0x3FDB];
	s0 =	simm.s32 @p2 $0x1  }
0x17: {  	s4 =	simm.s32 $0x1BF5;
	[smem:$0x3FB4] =	sst s0  }
0x18: {  	s0 =	sld [smem:$0x3F97];
	_ =	swait.ge [sflag:s4], $0x0  }
0x19: {  	s7 =	sld [smem:$0x3F98]  }
0x1a: {  	s8 =	sadd.s32 $0xFFFFE003, lr  }
0x1b: {  	s9 =	sadd.s32 $0xFFFFFEF7, lr;
	s5 =	simm.s32 $0xFFFFFFFF;
	p2 =	slt.u32 s8, $0xFFFFF086  }
0x1c: {  	p1 =	slt.u32 s9, $0xF7A;
	s5 =	simm.s32 @!p2 $0x0  }
0x1d: {  	s5 =	simm.s32 @p1 $0x1;
	p0 =	seq.s32 s7, s2  }
0x1e: {  	s7 =	smul.u32 @!p0 $0xF7A, s2;
	p2 =	seq.s32 @!p0 s5, $0x0  }
0x1f: {  	s9 =	smul.u32 $0xF7A, s1;
	s8 =	simm.s32 @!p0 $0x1BF5;
	p2 =	por !p2, p0  }
0x20: {  	[sflag:s8] =	ssyncset.s32 @!p0 $0xFFFFF086;
	s6 =	sadd.s32 @!p0 s3, s7;
	s7 =	simm.s32 @!p0 $0x108  }
0x21: {  	s3 =	sadd.s32 s3, s9;
	s6 =	sadd.s32 @!p0 $0x88, s6;
	s7 =	simm.s32 @p2 $0x1082  }
0x22: {  	[simem:s7], [sflag:s8] =	dma.local @!p0 [hbm:s6], $0xF7A  }
0x23: {  	s9 =	sor.u32 $0xD0000000, s2;
	s6 =	simm.s32 $0x108;
	_ =	swait.ge @!p0 [sflag:s8], $0x0  }
0x24: {  	s3 =	sadd.s32 $0x88, s3;
	s6 =	simm.s32 @!p1 $0x1082;
	[sflag:s4] =	ssyncset.s32 $0xFFFFF086  }
0x25: {  	[simem:s6], [sflag:s4] =	dma.local [hbm:s3], $0xF7A  }
0x26: {  	[smem:$0x3F98] =	sst s1;
	(tag) =	ssettag s2;
	_ =	strace s9  }
0x27: {  	s1 =	sld [smem:$0x3FA8]  }
0x28: {  	s2 =	sld [smem:$0x3FA9]  }
0x29: {  	s4 =	sld [smem:$0x3FAB]  }
0x2a: {  	p0 =	seq.s32 s5, $0x0;
	s5 =	sld [smem:$0x3FAC]  }
0x2b: {  	s6 =	sld [smem:$0x3FAD]  }
0x2c: {  	s7 =	sld [smem:$0x3FAE]  }
0x2d: {  	s3 =	simm.s32 $0x108;
	s8 =	sld [smem:$0x3FAF]  }
0x2e: {  	s3 =	simm.s32 @!p0 $0x1082;
	s9 =	sld [smem:$0x3FB0]  }
0x2f: {  	lr =	sadd.s32 s0, s3;
	s0 =	sld [smem:$0x3FA7]  }
0x30: {  	s3 =	sld [smem:$0x3FAA]  }
0x31: {  	[smem:$0x3FB3] =	sst s10  }
0x32: {  	s10 =	sld [smem:$0x3FB1];
	_ =	sdelay $0x3  }
0x33: {  	p0 =	seq.s32 s10, $0x1;
	s10 =	sld [smem:$0x3FB3];
	_ =	sdelay $0x3  }
0x34: {  	[smem:$0x3FB3] =	sst s10  }
0x35: {  	s10 =	sld [smem:$0x3FB2];
	_ =	sdelay $0x3  }
0x36: {  	p1 =	seq.s32 s10, $0x1;
	s10 =	sld [smem:$0x3FB3];
	_ =	sdelay $0x3  }
0x37: {  	[smem:$0x3FB3] =	sst s10  }
0x38: {  	s10 =	sld [smem:$0x3FB4]  }
0x39: {  	_ = 	snop;
	(pc) =	sbr.ind lr, $3  }
0x3a: {  	_ = 	snop  }
0x3b: {  	_ = 	snop  }
0x3c: {  	p2 =	seq.s32 s10, $0x1;
	s10 =	sld [smem:$0x3FB3]  }
0x3d: {  	_ =	shalt  }
0x3e: {  	_ =	shalt  }
0x3f: {  	_ =	shalt  }
0x40: {  	_ =	shalt  }
0x41: {  	_ =	shalt  }
0x42: {  	_ =	shalt  }
0x43: {  	_ =	shalt  }
0x44: {  	_ =	shalt  }
0x45: {  	_ =	shalt  }
0x46: {  	_ =	shalt  }
0x47: {  	_ =	shalt  }
0x48: {  	_ =	shalt  }
0x49: {  	_ =	shalt  }
0x4a: {  	_ =	shalt  }
0x4b: {  	_ =	shalt  }
0x4c: {  	_ =	shalt  }
0x4d: {  	_ =	shalt  }
0x4e: {  	_ =	shalt  }
0x4f: {  	_ =	shalt  }
0x50: {  	_ =	shalt  }
0x51: {  	_ =	shalt  }
0x52: {  	_ =	shalt  }
0x53: {  	_ =	shalt  }
0x54: {  	_ =	shalt  }
0x55: {  	_ =	shalt  }
0x56: {  	_ =	shalt  }
0x57: {  	_ =	shalt  }
0x58: {  	_ =	shalt  }
0x59: {  	_ =	shalt  }
0x5a: {  	_ =	shalt  }
0x5b: {  	_ =	shalt  }
0x5c: {  	_ =	shalt  }
0x5d: {  	_ =	shalt  }
0x5e: {  	_ =	shalt  }
0x5f: {  	_ =	shalt  }
0x60: {  	_ =	shalt  }
0x61: {  	_ =	shalt  }
0x62: {  	_ =	shalt  }
0x63: {  	_ =	shalt  }
0x64: {  	_ =	shalt  }
0x65: {  	_ =	shalt  }
0x66: {  	_ =	shalt  }
0x67: {  	_ =	shalt  }
0x68: {  	_ =	shalt  }
0x69: {  	_ =	shalt  }
0x6a: {  	_ =	shalt  }
0x6b: {  	_ =	shalt  }
0x6c: {  	_ =	shalt  }
0x6d: {  	_ =	shalt  }
0x6e: {  	_ =	shalt  }
0x6f: {  	_ =	shalt  }
0x70: {  	_ =	shalt  }
0x71: {  	_ =	shalt  }
0x72: {  	_ =	shalt  }
0x73: {  	_ =	shalt  }
0x74: {  	_ =	shalt  }
0x75: {  	_ =	shalt  }
0x76: {  	_ =	shalt  }
0x77: {  	_ =	shalt  }
0x78: {  	_ =	shalt  }
0x79: {  	_ =	shalt  }
0x7a: {  	_ =	shalt  }
0x7b: {  	_ =	shalt  }
0x7c: {  	_ =	shalt  }
0x7d: {  	_ =	shalt  }
0x7e: {  	_ =	shalt  }
0x7f: {  	_ =	shalt  }
0x80: {  	_ =	shalt  }
0x81: {  	_ =	shalt  }
0x82: {  	_ =	shalt  }
0x83: {  	_ =	shalt  }
0x84: {  	_ =	shalt  }
0x85: {  	_ =	shalt  }
0x86: {  	_ =	shalt  }
0x87: {  	_ =	shalt  }
.Lfunc_end0:
.L_simem_size_0:
called_computation_lowered:
.L_overlay_start_0:
0x88: {  	s2 =	sld [smem:$0x3FD9]  }
0x89: {  	s3 =	sld [smem:$0x3FFE];
	_ =	sdelay $0x1  }
0x8a: {  	s1 =	srdreg.scid  }
0x8b: {  	s0 =	sand.u32 $0x1, s1  }
0x8c: {  	s16 =	sshll.u32 s0, $0xA;
	s2 =	sadd.s32 s3, s2  }
0x8d: {  	s2 =	sadd.s32 s2, s16  }
0x8e: {  	[smem:$0x3FBF] =	sst s2  }
0x8f: {  	_ = 	snop  }
0x90: {  	(tm) =	ssettm $0x1  }
0x91: {  	s17 =	sld [smem:$0x3FFB];
	_ =	sdelay $0x3  }
0x92: {  	_ =	strace s17  }
0x93: {  	s2 =	sld [smem:$0x3FFC];
	_ =	sdelay $0x3  }
0x94: {  	_ =	strace s2  }
0x95: {  	s2 =	sld [smem:$0x3FFD];
	_ =	sdelay $0x3  }
0x96: {  	_ =	strace s2  }
0x97: {  	_ =	strace $0x8FFFFFFF  }
0x98: {  	s18 =	sld [smem:$0x3FDB];
	_ =	sdelay $0x1  }
0x99: {  	s19 =	simm.s32 $_scs_section_size  }
0x9a: {  	s4 =	simm.s32 $_size__tile_overlayer_lowered;
	s5 =	simm.s32 $_tile_overlayer_lowered  }
0x9b: {  	s22 =	simm.s32 $0x1BFF;
	s21 =	sshll.u32 s5, $0x1;
	s2 =	sadd.s32 s19, s18  }
0x9c: {  	s6 =	simm.s32 $0x0;
	s20 =	sshll.u32 s4, $0x1;
	s4 =	sadd.s32 s21, s2  }
0x9d: {  	[timem:s6], [sflag:s22] =	dma.local [hbm:s4], s20  }
0x9e: {  	_ =	swait.ge [sflag:s22], s20  }
0x9f: {  	s3 =	ssub.s32 $0x0, s20;
	[sflag:s22] =	ssyncset.done $0x0  }
0xa0: {  	[sflag:s22] =	ssyncadd.s32 s3;
	_ =	sdelay $0x1  }
0xa1: {  	s23 =	simm.s32 $0x1B8B  }
0xa2: {  	_ =	swait.ge [sflag:s23], $0x1  }
0xa3: {  	[sflag:s23] =	ssyncset.done $0x0  }
0xa4: {  	s25 =	simm.s32 $0x1B8E;
	s24 =	sld [smem:$0x3FFE];
	[sflag:s23] =	ssyncadd.s32 $0xFFFFFFFF  }
0xa5: {  	s26 =	simm.s32 $execute0_lowered;
	[smem:$0x3FD2] =	sst s25  }
0xa6: {  	s4 =	sshll.u32 s26, $0x1;
	_ =	strace $0x80000046;
	[dreg:$0x1] =	wrdreg $0xFFFFFFFF  }
0xa7: {  	s28 =	simm.s32 $_size_execute0_lowered;
	s2 =	sadd.s32 s2, s4;
	[dreg:$0x0] =	wrdreg $0x0  }
0xa8: {  	s4 =	sshll.u32 s28, $0x1;
	[dreg:$0x2] =	wrdreg s2  }
0xa9: {  	[dreg:$0x3] =	wrdreg s4  }
0xaa: {  	[dreg:$0x4] =	wrdreg $0xC0  }
0xab: {  	_ =	task [dreg:s6], $0x5FFFF  }
0xac: {  	[dreg:$0x1] =	wrdreg $0xFFFFFFFF  }
0xad: {  	[dreg:$0x0] =	wrdreg $0x60  }
0xae: {  	[dreg:$0x2] =	wrdreg s24  }
0xaf: {  	[dreg:$0x3] =	wrdreg $0x9  }
0xb0: {  	_ =	task.clear_ibuf [dreg:s6], $0x4FFFF;
	_ =	strace $0x90000046  }
0xb1: {  	s29 =	simm.s32 $0x9;
	_ =	strace $0x80000048  }
0xb2: {  	_ =	swait.ge [sflag:s29], $0x1  }
0xb3: {  	[sflag:s29] =	ssyncadd.s32 $0xFFFFFFFF  }
0xb4: {  	_ =	strace $0x90000048  }
0xb5: {  	_ =	sfence  }
0xb6: {  	s30 =	sld [smem:$0x0];
	_ =	sdelay $0x2  }
0xb7: {  	s31 =	sshll.u32 s1, $0xD;
	s1 =	sshrl.u32 s1, $0x2  }
0xb8: {  	s3 =	sand.u32 $0x4000, s31;
	s1 =	sadd.s32 s1, s30  }
0xb9: {  	s0 =	sor.u32 s3, s0;
	s1 =	sshll.u32 s1, $0x11  }
0xba: {  	s0 =	sor.u32 s1, s0  }
0xbb: {  	s0 =	sadd.s32 $0x8F2B, s0  }
0xbc: {  	[sflag:s0] =	ssyncadd.remote.s32 $0x1  }
0xbd: {  	_ =	sfence.sel $0xFFFF  }
0xbe: {  	[dreg:$0x0] =	wrdreg $0xFFFFFFFF;
	(pc) =	sbr.abs _section_cstart, $3  }
0xbf: {  	[dreg:$0x1] =	wrdreg $0xFFFFFFFF  }
0xc0: {  	_ =	task.clear_ibuf [dreg:s6], $0x2FFFF;
	_ =	strace $0x9FFFFFFF  }
0xc1: {  	(tm) =	ssettm $0x7FFFFFFF  }
tec
execute0_lowered:
.L_overlay_start_1:
0x0: {  	(tag) =	ssettag $0x1  }
0x1: {  	s2 =	srdreg.scid  }
0x2: {  	s1 =	stileid.u32;
	s3 =	sand.u32 $0x1, s2  }
0x3: {  	s5 =	rddreg [dreg:$0x0];
	s4 =	sshll.u32 s1, $0x5;
	s6 =	sshll.u32 s3, $0x4  }
0x4: {  	s0 =	rddreg [dreg:$0x1];
	s11 =	simm.s32 $0x2;
	s4 =	sor.u32 s6, s4  }
0x5: {  	s12 =	simm.s32 $0x80;
	s13 =	simm.s32 $0x1;
	s2 =	simm.s32 $0x0;
	v0 =	vmov s4  }
0x6: {  	[smem:$0x7FF] =	sst s2;
	s31 =	ssub.s32 $0x2, s3;
	s3 =	sadd.s32 $0x1A00, s5;
	v0 =	vmul.u32 $0x3E8, v0  }
0x7: {  	v1 =	vlaneseq.u32;
	_ =	strace $0x80000047;
	s8 =	sshrl.u32 s31, $0x1;
	s7 =	sshrl.u32 s4, $0x3  }
0x8: {  	v1 =	vmul.u32 $0x3E8, v1;
	s4 =	sadd.s32 $0x11400, s5;
	s10 =	ssub.s32 s31, s8;
	s9 =	sadd.s32 s7, s5;
	v0 =	vbroadcast v0, $0x0  }
0x9: {  	s10 =	smax.u32 s10, $0x1;
	s5 =	sadd.s32 $0x1600, s9;
	s6 =	sadd.s32 $0x20E00, s9  }
0xa: {  	vm0 =	vmmov $0xffff;
	s7 =	sadd.s32 $0x21000, s9;
	s8 =	sadd.s32 $0x1800, s9;
	s9 =	sadd.s32 $0x21200, s9;
	v0 =	vadd.s32 v1, v0  }
.LBB2_1:
0xb: {  	[tilespmem:s2], [sflag:$0x2] =	stream.linear.gather [hbm4b:s5+s2], $0x10, $0x38;
	[tilespmem:$0x100] =	vst v63  }
0xc: {  	_ =	swait.ge [sflag:s11], $0x10  }
0xd: {  	[sflag:s11] =	ssyncset.done $0x0  }
0xe: {  	[sflag:s11] =	ssyncadd.s32 $0xFFFFFFF0  }
0xf: {  	v1 =	vld [tilespmem:$0x0];
	_ =	sdelay $0x4  }
0x10: {  	v1 =	vadd.s32 v0, v1;
	_ =	sdelay $0x4  }
0x11: {  	[tilespmem:s12], [sflag:$0x1] =	stream.indirect_vreg.gather [hbm4b:s3+s2], $0x1, v1, vm0, $0xb8;
	[tilespmem:$0x100] =	vst v63  }
0x12: {  	_ =	swait.ge [sflag:s13], $0x10  }
0x13: {  	[sflag:s13] =	ssyncset.done $0x0  }
0x14: {  	[sflag:s13] =	ssyncadd.s32 $0xFFFFFFF0  }
0x15: {  	[hbm4b:s6+s2] =	stream.linear.scatter [tilespmem:s12], [sflag:$0x2], $0x10, $0x38;
	[tilespmem:$0x100] =	vst v63  }
0x16: {  	_ =	swait.ge [sflag:s11], $0x10  }
0x17: {  	[sflag:s11] =	ssyncset.done $0x0  }
0x18: {  	[sflag:s11] =	ssyncadd.s32 $0xFFFFFFF0  }
0x19: {  	[tilespmem:s2], [sflag:$0x2] =	stream.linear.gather [hbm4b:s5+s2], $0x10, $0x38;
	[tilespmem:$0x100] =	vst v63  }
0x1a: {  	_ =	swait.ge [sflag:s11], $0x10  }
0x1b: {  	[sflag:s11] =	ssyncset.done $0x0  }
0x1c: {  	[sflag:s11] =	ssyncadd.s32 $0xFFFFFFF0  }
0x1d: {  	v1 =	vld [tilespmem:$0x0];
	_ =	sdelay $0x4  }
0x1e: {  	v1 =	vadd.s32 v0, v1;
	_ =	sdelay $0x4  }
0x1f: {  	[tilespmem:s12], [sflag:$0x1] =	stream.indirect_vreg.gather [hbm4b:s4+s2], $0x1, v1, vm0, $0xb8;
	[tilespmem:$0x100] =	vst v63  }
0x20: {  	_ =	swait.ge [sflag:s13], $0x10  }
0x21: {  	[sflag:s13] =	ssyncset.done $0x0  }
0x22: {  	[sflag:s13] =	ssyncadd.s32 $0xFFFFFFF0  }
0x23: {  	[hbm4b:s7+s2] =	stream.linear.scatter [tilespmem:s12], [sflag:$0x2], $0x10, $0x38;
	[tilespmem:$0x100] =	vst v63  }
0x24: {  	_ =	swait.ge [sflag:s11], $0x10  }
0x25: {  	[sflag:s11] =	ssyncset.done $0x0  }
0x26: {  	[sflag:s11] =	ssyncadd.s32 $0xFFFFFFF0  }
0x27: {  	[tilespmem:s2], [sflag:$0x2] =	stream.linear.gather [hbm4b:s8+s2], $0x10, $0x38;
	[tilespmem:$0x100] =	vst v63  }
0x28: {  	_ =	swait.ge [sflag:s11], $0x10  }
0x29: {  	[sflag:s11] =	ssyncset.done $0x0  }
0x2a: {  	[sflag:s11] =	ssyncadd.s32 $0xFFFFFFF0  }
0x2b: {  	v1 =	vld [tilespmem:$0x0];
	_ =	sdelay $0x4  }
0x2c: {  	v1 =	vadd.s32 v0, v1;
	_ =	sdelay $0x4  }
0x2d: {  	[tilespmem:s12], [sflag:$0x1] =	stream.indirect_vreg.gather [hbm4b:s4+s2], $0x1, v1, vm0, $0xb8;
	[tilespmem:$0x100] =	vst v63  }
0x2e: {  	_ =	swait.ge [sflag:s13], $0x10  }
0x2f: {  	p0 =	sne.s32 s10, $0x1;
	[sflag:s13] =	ssyncset.done $0x0  }
.Ltmp0:
0x30: {  	[sflag:s13] =	ssyncadd.s32 $0xFFFFFFF0;
	(pc) =	sbr.rel @p0 .LBB2_1-.Ltmp0, $4  }
0x31: {  	[hbm4b:s9+s2] =	stream.linear.scatter [tilespmem:s12], [sflag:$0x2], $0x10, $0x38;
	[tilespmem:$0x100] =	vst v63  }
0x32: {  	_ =	swait.ge [sflag:s11], $0x10  }
0x33: {  	[sflag:s11] =	ssyncset.done $0x0  }
0x34: {  	s10 =	sadd.s32 $0xFFFFFFFF, s10;
	[sflag:s11] =	ssyncadd.s32 $0xFFFFFFF0  }
0x35: {  	_ =	sfence.sel $0x180000  }
0x36: {  	[bflag:$0x0] =	sbarrier.arrive $0xFFFF  }
0x37: {  	p0 =	sne.s32 s1, $0x0;
	_ =	strace $0x90000047  }
0x38: {  	s0 =	sadd.s32 @!p0 $0x100000, s0;
	[bflag:$0x2] =	sbarrier.arrive $0xFFFF  }
0x39: {  	[sflag:s0] =	ssyncadd.tile.s32 @!p0 $0x1;
	_ =	shalt  }
.Lfunc_end2:
_tile_overlayer_lowered:
.L_overlay_start_2:
0x3a: {  	(tag) =	ssettag $0x2  }
0x3b: {  	s0 =	rddreg [dreg:$0x0];
	s2 =	stileid.u32  }
0x3c: {  	s1 =	rddreg [dreg:$0x1];
	p0 =	sne.s32 s2, $0x0  }
0x3d: {  	s3 =	rddreg [dreg:$0x2];
	[bflag:$0x3] =	sbarrier.arrive $0xFFFF;
	s2 =	simm.s32 @!p0 $0x1C02  }
0x3e: {  	[timem:s3], [sflag:s2] =	dma.local @!p0 [hbm:s0], s1  }
0x3f: {  	s0 =	simm.s32 @!p0 $0x2  }
0x40: {  	_ =	swait.ge @!p0 [sflag:s0], s1  }
0x41: {  	s1 =	ssub.s32 @!p0 $0x0, s1;
	[sflag:s0] =	ssyncset.done @!p0 $0x0  }
0x42: {  	[sflag:s0] =	ssyncadd.s32 @!p0 s1  }
0x43: {  	[bflag:$0x3] =	sbarrier.arrive $0xFFFF  }
0x44: {  	_ =	shalt  }

</sc_bundles>
